<compile_context>
chip_gen: v7x
topology: tpu7x:2x2x1
jax: 0.10.2.dev20260603
libtpu: 0.0.44.dev20260713+nightly
codegen_flags: <defaults>
</compile_context>

<pallas_src>
import functools

import jax
import jax.numpy as jnp
from jax import lax
from jax.experimental import pallas as pl
from jax.experimental.pallas import tpu as pltpu
from jax.experimental.pallas import tpu_sc as plsc


def _sc_dots_kernel(nc, ns, V, D, C, spt, table_t, idx_t):
    dpc = D // nc
    mesh = plsc.VectorSubcoreMesh(core_axis_name="c", subcore_axis_name="s")

    @functools.partial(
        pl.kernel,
        mesh=mesh,
        compiler_params=pltpu.CompilerParams(
            use_tc_tiling_on_sc=True, needs_layout_passes=False
        ),
        out_type=jax.ShapeDtypeStruct((nc, ns, C, spt), jnp.float32),
        scratch_types=[
            pltpu.VMEM_SHARED((V,), jnp.float32),
            pltpu.VMEM((1, (C + 1) * spt), jnp.int32),
            pltpu.VMEM((1, (C + 1) * spt), jnp.float32),
            pltpu.VMEM((C, 1, spt), jnp.float32),
            pltpu.SemaphoreType.DMA,
            pltpu.SemaphoreType.DMA,
        ],
    )
    def k(tab, idx_h, out_h, sp0, idx_v, val_v, acc_v, semA, semG):
        cid = lax.axis_index("c")
        sid = lax.axis_index("s")
        d0 = cid * dpc
        pltpu.sync_copy(idx_h.at[sid], idx_v)

        zeros16 = jnp.zeros((16,), jnp.float32)

        def zblk(b, _):
            for c in range(C):
                acc_v[c, 0, pl.ds(b * 16, 16)] = zeros16
            return 0

        lax.fori_loop(0, spt // 16, zblk, 0)

        def stage(d):
            pltpu.async_copy(tab.at[d], sp0, semA)

        def drain_row():
            pltpu.make_async_copy(tab.at[0], sp0, semA).wait()

        @pl.when(sid == 0)
        def _():
            stage(d0)

        def d_body(dl, _):
            @pl.when(sid == 0)
            def _():
                drain_row()

            plsc.subcore_barrier()

            pltpu.async_copy(sp0.at[idx_v.at[0]], val_v.at[0], semG).wait()

            plsc.subcore_barrier()

            @pl.when((sid == 0) & (dl + 1 < dpc))
            def _():
                stage(d0 + dl + 1)

            def blk(b, _):
                s0 = b * 16
                v0 = val_v[0, pl.ds(s0, 16)]
                for c in range(C):
                    acc_v[c, 0, pl.ds(s0, 16)] = (
                        acc_v[c, 0, pl.ds(s0, 16)]
                        + v0 * val_v[0, pl.ds((c + 1) * spt + s0, 16)]
                    )
                return 0

            lax.fori_loop(0, spt // 16, blk, 0)
            return 0

        lax.fori_loop(0, dpc, d_body, 0)

        for c in range(C):
            pltpu.sync_copy(acc_v.at[c, 0], out_h.at[cid, sid, c])

    return k(table_t, idx_t)


def _tc_loss_kernel(parts, batch):

    def body(x_ref, o_ref):
        x = x_ref[0] + x_ref[1]
        ls = jnp.minimum(x, 0.0) - jnp.log1p(jnp.exp(-jnp.abs(x)))
        o_ref[0, 0] = -jnp.sum(ls) / batch

    return pl.pallas_call(
        body,
        out_shape=jax.ShapeDtypeStruct((1, 1), jnp.float32),
        out_specs=pl.BlockSpec(memory_space=pltpu.SMEM),
    )(parts)


def kernel(v_i, v_j, negsamples, device, first_embeddings):
    B = v_i.shape[0]
    V, D = first_embeddings.shape
    C = negsamples.shape[0] + 1

    info = plsc.get_sparse_core_info()
    nc, ns = info.num_cores, info.num_subcores
    spt = B // ns

    all_idx = jnp.concatenate(
        [v_i[None].astype(jnp.int32), v_j[None].astype(jnp.int32),
         negsamples.astype(jnp.int32)], axis=0
    )
    idx_t = (all_idx.reshape(C + 1, ns, spt).transpose(1, 0, 2)
             .reshape(ns, 1, (C + 1) * spt))

    parts = _sc_dots_kernel(nc, ns, V, D, C, spt, first_embeddings.T, idx_t)
    out = _tc_loss_kernel(parts.reshape(nc, C * B // 1024, 1024), B)
    return out[0, 0]

# --- scband reference (transcript-rebuilt; emitter-appended) ---
"""Pipeline reference for scband-line-11716670783994 (READ-ONLY COPY).

The authoritative reference and input builder live on the scoring server;
editing this copy changes nothing except your own understanding.
"""

import jax, jax.numpy as jnp
import numpy as np

VOCAB = 1000000
DIM = 64
B = 16384
NUM_NEG = 5


def setup_inputs(seed: int = 0) -> dict:
    key = jax.random.key(seed)
    k1, k2, k3, k4 = jax.random.split(key, 4)
    v_i = jax.random.randint(k1, (B,), 0, VOCAB, dtype=jnp.int64 if jax.config.jax_enable_x64 else jnp.int32)
    v_j = jax.random.randint(k2, (B,), 0, VOCAB, dtype=jnp.int64 if jax.config.jax_enable_x64 else jnp.int32)
    negsamples = jax.random.randint(k3, (NUM_NEG, B), 0, VOCAB, dtype=jnp.int64 if jax.config.jax_enable_x64 else jnp.int32)
    # first_embeddings initialized uniform(-1,1)/embed_dim as in the torch module
    first_embeddings = (jax.random.uniform(k4, (VOCAB, DIM), minval=-1.0, maxval=1.0) / DIM).astype(jnp.float32)
    return {
        "v_i": v_i,
        "v_j": v_j,
        "negsamples": negsamples,
        "device": 0,
        "first_embeddings": first_embeddings,
    }


def reference(v_i, v_j, negsamples, device, first_embeddings):
    # order == 'first' branch of Line.forward; `device` is ignored (host placement).
    ei = jnp.take(first_embeddings, v_i, axis=0)
    ej = jnp.take(first_embeddings, v_j, axis=0)
    mulpositivebatch = ei * ej
    pos_loss = jax.nn.log_sigmoid(jnp.sum(mulpositivebatch, axis=1))
    neg_loss = jnp.zeros_like(pos_loss)
    for n in range(negsamples.shape[0]):
        negativeemb = -jnp.take(first_embeddings, negsamples[n], axis=0)
        mulnegativebatch = ei * negativeemb
        neg_loss = neg_loss + jax.nn.log_sigmoid(-jnp.sum(mulnegativebatch, axis=1))
    loss = pos_loss + neg_loss
    return -jnp.mean(loss)

if __name__ == "__main__":
    import jax
    _d = setup_inputs()
    print(jax.jit(kernel)(*tuple(_d.values())))

</pallas_src>

<mosaic_0001>
#map = affine_map<(d0, d1) -> (0, 0)>
#map1 = affine_map<(d0, d1) -> (0, 0, 0)>
#map2 = affine_map<(d0, d1) -> (0, 0, 0, 0)>
module attributes {stable_mosaic.version = 14 : i64} {
  func.func @k(%arg0: i32, %arg1: i32, %arg2: memref<64x1000000xf32, #tpu.memory_space<hbm>>, %arg3: memref<16x1x7168xi32, #tpu.memory_space<hbm>>, %arg4: memref<2x16x6x1024xf32, #tpu.memory_space<hbm>>, %arg5: memref<1000000xf32, #tpu.memory_space<vmem_shared>>, %arg6: memref<1x7168xi32, #tpu.memory_space<vmem>>, %arg7: memref<1x7168xf32, #tpu.memory_space<vmem>>, %arg8: memref<6x1x1024xf32, #tpu.memory_space<vmem>>, %arg9: memref<!tpu.dma_semaphore, #tpu.memory_space<semaphore_mem>>, %arg10: memref<!tpu.dma_semaphore, #tpu.memory_space<semaphore_mem>>) attributes {dimension_semantics = [#tpu.dimension_semantics<core_parallel>, #tpu.dimension_semantics<subcore_parallel>], iteration_bounds = array<i64: 2, 16>, scalar_prefetch = 0 : i64, scratch_operands = 6 : i64, tpu.core_type = #tpu.core_type<sc_vector_subcore>, window_params = [{transform_indices = #map}, {transform_indices = #map1}, {transform_indices = #map2}]} {
    %mul3A = arith.constant 32 : i32
    %mul3A_0 = arith.muli %arg0, %mul3A : i32
    "tpu.region"() ({
      %run_scoped3A_34 = tpu.sem_alloc : memref<!tpu.dma_semaphore, #tpu.memory_space<semaphore_mem>>
      %dma_start3A = arith.constant 0 : i32
      %dma_start3A_35 = arith.constant 0 : i32
      %dma_start3A_36 = tpu.memref_slice %arg3[%arg1, %dma_start3A, %dma_start3A_35] : memref<16x1x7168xi32, #tpu.memory_space<hbm>> -> memref<1x1x7168xi32, #tpu.memory_space<hbm>>
      %dma_start3A_37 = tpu.memref_squeeze %dma_start3A_36 : memref<1x1x7168xi32, #tpu.memory_space<hbm>> -> memref<1x7168xi32, #tpu.memory_space<hbm>>
      %dma_start3A_38 = arith.constant 0 : i32
      %dma_start3A_39 = arith.constant 0 : i32
      %dma_start3A_40 = tpu.memref_slice %arg3[%arg1, %dma_start3A_38, %dma_start3A_39] : memref<16x1x7168xi32, #tpu.memory_space<hbm>> -> memref<1x1x7168xi32, #tpu.memory_space<hbm>>
      %dma_start3A_41 = tpu.memref_squeeze %dma_start3A_40 : memref<1x1x7168xi32, #tpu.memory_space<hbm>> -> memref<1x7168xi32, #tpu.memory_space<hbm>>
      tpu.enqueue_dma source(%dma_start3A_41 : memref<1x7168xi32, #tpu.memory_space<hbm>>) target(%arg6 : memref<1x7168xi32, #tpu.memory_space<vmem>>) target_semaphore(%run_scoped3A_34 : memref<!tpu.dma_semaphore, #tpu.memory_space<semaphore_mem>>)
      %dma_wait3A = arith.constant 0 : i32
      %dma_wait3A_42 = arith.constant 0 : i32
      %dma_wait3A_43 = tpu.memref_slice %arg3[%arg1, %dma_wait3A, %dma_wait3A_42] : memref<16x1x7168xi32, #tpu.memory_space<hbm>> -> memref<1x1x7168xi32, #tpu.memory_space<hbm>>
      %dma_wait3A_44 = tpu.memref_squeeze %dma_wait3A_43 : memref<1x1x7168xi32, #tpu.memory_space<hbm>> -> memref<1x7168xi32, #tpu.memory_space<hbm>>
      %dma_wait3A_45 = arith.constant 0 : i32
      %dma_wait3A_46 = arith.constant 0 : i32
      %dma_wait3A_47 = tpu.memref_slice %arg3[%arg1, %dma_wait3A_45, %dma_wait3A_46] : memref<16x1x7168xi32, #tpu.memory_space<hbm>> -> memref<1x1x7168xi32, #tpu.memory_space<hbm>>
      %dma_wait3A_48 = tpu.memref_squeeze %dma_wait3A_47 : memref<1x1x7168xi32, #tpu.memory_space<hbm>> -> memref<1x7168xi32, #tpu.memory_space<hbm>>
      tpu.wait_dma2 semaphore(%run_scoped3A_34 : memref<!tpu.dma_semaphore, #tpu.memory_space<semaphore_mem>>) src(%dma_wait3A_48 : memref<1x7168xi32, #tpu.memory_space<hbm>>) dst(%arg6 : memref<1x7168xi32, #tpu.memory_space<vmem>>)
      tpu.yield
    }) : () -> ()
    %broadcast_in_dim3A = arith.constant 0.000000e+00 : f32
    %broadcast_in_dim3A_1 = vector.broadcast %broadcast_in_dim3A : f32 to vector<16xf32>
    %scan3A = arith.constant 0 : i32
    %scan3A_2 = arith.constant 0 : i32
    %scan3A_3 = arith.constant 64 : i32
    %scan3A_4 = arith.addi %scan3A_2, %scan3A_3 : i32
    %scan3A_5 = arith.constant 1 : i32
    %scan3A_6 = scf.for %scan3A_34 = %scan3A_2 to %scan3A_4 step %scan3A_5 iter_args(%scan3A_35 = %scan3A) -> (i32)  : i32 {
      %mul3A_36 = arith.constant 16 : i32
      %mul3A_37 = arith.muli %scan3A_34, %mul3A_36 : i32
      %swap3A = arith.constant 0 : i32
      %swap3A_38 = arith.constant 0 : i32
      %swap3A_39 = arith.index_cast %swap3A : i32 to index
      %swap3A_40 = arith.index_cast %swap3A_38 : i32 to index
      %swap3A_41 = arith.index_cast %mul3A_37 : i32 to index
      %swap3A_42 = tpu.vector_load %arg8[%swap3A_39, %swap3A_40, %swap3A_41] {strides = array<i32>} : memref<6x1x1024xf32, #tpu.memory_space<vmem>>, vector<16xf32>,
      tpu.vector_store %arg8[%swap3A_39, %swap3A_40, %swap3A_41], %broadcast_in_dim3A_1 {strides = array<i32>} : memref<6x1x1024xf32, #tpu.memory_space<vmem>>, vector<16xf32>,
      %mul3A_43 = arith.constant 16 : i32
      %mul3A_44 = arith.muli %scan3A_34, %mul3A_43 : i32
      %swap3A_45 = arith.constant 1 : i32
      %swap3A_46 = arith.constant 0 : i32
      %swap3A_47 = arith.index_cast %swap3A_45 : i32 to index
      %swap3A_48 = arith.index_cast %swap3A_46 : i32 to index
      %swap3A_49 = arith.index_cast %mul3A_44 : i32 to index
      %swap3A_50 = tpu.vector_load %arg8[%swap3A_47, %swap3A_48, %swap3A_49] {strides = array<i32>} : memref<6x1x1024xf32, #tpu.memory_space<vmem>>, vector<16xf32>,
      tpu.vector_store %arg8[%swap3A_47, %swap3A_48, %swap3A_49], %broadcast_in_dim3A_1 {strides = array<i32>} : memref<6x1x1024xf32, #tpu.memory_space<vmem>>, vector<16xf32>,
      %mul3A_51 = arith.constant 16 : i32
      %mul3A_52 = arith.muli %scan3A_34, %mul3A_51 : i32
      %swap3A_53 = arith.constant 2 : i32
      %swap3A_54 = arith.constant 0 : i32
      %swap3A_55 = arith.index_cast %swap3A_53 : i32 to index
      %swap3A_56 = arith.index_cast %swap3A_54 : i32 to index
      %swap3A_57 = arith.index_cast %mul3A_52 : i32 to index
      %swap3A_58 = tpu.vector_load %arg8[%swap3A_55, %swap3A_56, %swap3A_57] {strides = array<i32>} : memref<6x1x1024xf32, #tpu.memory_space<vmem>>, vector<16xf32>,
      tpu.vector_store %arg8[%swap3A_55, %swap3A_56, %swap3A_57], %broadcast_in_dim3A_1 {strides = array<i32>} : memref<6x1x1024xf32, #tpu.memory_space<vmem>>, vector<16xf32>,
      %mul3A_59 = arith.constant 16 : i32
      %mul3A_60 = arith.muli %scan3A_34, %mul3A_59 : i32
      %swap3A_61 = arith.constant 3 : i32
      %swap3A_62 = arith.constant 0 : i32
      %swap3A_63 = arith.index_cast %swap3A_61 : i32 to index
      %swap3A_64 = arith.index_cast %swap3A_62 : i32 to index
      %swap3A_65 = arith.index_cast %mul3A_60 : i32 to index
      %swap3A_66 = tpu.vector_load %arg8[%swap3A_63, %swap3A_64, %swap3A_65] {strides = array<i32>} : memref<6x1x1024xf32, #tpu.memory_space<vmem>>, vector<16xf32>,
      tpu.vector_store %arg8[%swap3A_63, %swap3A_64, %swap3A_65], %broadcast_in_dim3A_1 {strides = array<i32>} : memref<6x1x1024xf32, #tpu.memory_space<vmem>>, vector<16xf32>,
      %mul3A_67 = arith.constant 16 : i32
      %mul3A_68 = arith.muli %scan3A_34, %mul3A_67 : i32
      %swap3A_69 = arith.constant 4 : i32
      %swap3A_70 = arith.constant 0 : i32
      %swap3A_71 = arith.index_cast %swap3A_69 : i32 to index
      %swap3A_72 = arith.index_cast %swap3A_70 : i32 to index
      %swap3A_73 = arith.index_cast %mul3A_68 : i32 to index
      %swap3A_74 = tpu.vector_load %arg8[%swap3A_71, %swap3A_72, %swap3A_73] {strides = array<i32>} : memref<6x1x1024xf32, #tpu.memory_space<vmem>>, vector<16xf32>,
      tpu.vector_store %arg8[%swap3A_71, %swap3A_72, %swap3A_73], %broadcast_in_dim3A_1 {strides = array<i32>} : memref<6x1x1024xf32, #tpu.memory_space<vmem>>, vector<16xf32>,
      %mul3A_75 = arith.constant 16 : i32
      %mul3A_76 = arith.muli %scan3A_34, %mul3A_75 : i32
      %swap3A_77 = arith.constant 5 : i32
      %swap3A_78 = arith.constant 0 : i32
      %swap3A_79 = arith.index_cast %swap3A_77 : i32 to index
      %swap3A_80 = arith.index_cast %swap3A_78 : i32 to index
      %swap3A_81 = arith.index_cast %mul3A_76 : i32 to index
      %swap3A_82 = tpu.vector_load %arg8[%swap3A_79, %swap3A_80, %swap3A_81] {strides = array<i32>} : memref<6x1x1024xf32, #tpu.memory_space<vmem>>, vector<16xf32>,
      tpu.vector_store %arg8[%swap3A_79, %swap3A_80, %swap3A_81], %broadcast_in_dim3A_1 {strides = array<i32>} : memref<6x1x1024xf32, #tpu.memory_space<vmem>>, vector<16xf32>,
      %scan3A_83 = arith.constant 0 : i32
      scf.yield %scan3A_83 : i32
    }
    %scan3A_7 = arith.constant 64 : i32
    %eq3A = arith.constant 0 : i32
    %eq3A_8 = arith.cmpi eq, %arg1, %eq3A : i32
    %convert_element_type3A = arith.extui %eq3A_8 : i1 to i32
    %cond3A = arith.constant 0 : i32
    %cond3A_9 = arith.cmpi ne, %convert_element_type3A, %cond3A : i32
    scf.if %cond3A_9 {
      %dma_start3A = arith.constant 0 : i32
      %dma_start3A_34 = tpu.memref_slice %arg2[%mul3A_0, %dma_start3A] : memref<64x1000000xf32, #tpu.memory_space<hbm>> -> memref<1x1000000xf32, #tpu.memory_space<hbm>>
      %dma_start3A_35 = tpu.memref_squeeze %dma_start3A_34 : memref<1x1000000xf32, #tpu.memory_space<hbm>> -> memref<1000000xf32, #tpu.memory_space<hbm>>
      tpu.enqueue_dma source(%dma_start3A_35 : memref<1000000xf32, #tpu.memory_space<hbm>>) target(%arg5 : memref<1000000xf32, #tpu.memory_space<vmem_shared>>) target_semaphore(%arg9 : memref<!tpu.dma_semaphore, #tpu.memory_space<semaphore_mem>>)
    } else {
    }
    %scan3A_10 = arith.constant 0 : i32
    %scan3A_11 = arith.constant 0 : i32
    %scan3A_12 = arith.constant 32 : i32
    %scan3A_13 = arith.addi %scan3A_11, %scan3A_12 : i32
    %scan3A_14 = arith.constant 1 : i32
    %scan3A_15 = scf.for %scan3A_34 = %scan3A_11 to %scan3A_13 step %scan3A_14 iter_args(%scan3A_35 = %scan3A_10) -> (i32)  : i32 {
      %eq3A_36 = arith.constant 0 : i32
      %eq3A_37 = arith.cmpi eq, %arg1, %eq3A_36 : i32
      %convert_element_type3A_38 = arith.extui %eq3A_37 : i1 to i32
      %cond3A_39 = arith.constant 0 : i32
      %cond3A_40 = arith.cmpi ne, %convert_element_type3A_38, %cond3A_39 : i32
      scf.if %cond3A_40 {
        %dma_wait3A_75 = arith.constant 0 : i32
        %dma_wait3A_76 = arith.constant 0 : i32
        %dma_wait3A_77 = tpu.memref_slice %arg2[%dma_wait3A_75, %dma_wait3A_76] : memref<64x1000000xf32, #tpu.memory_space<hbm>> -> memref<1x1000000xf32, #tpu.memory_space<hbm>>
        %dma_wait3A_78 = tpu.memref_squeeze %dma_wait3A_77 : memref<1x1000000xf32, #tpu.memory_space<hbm>> -> memref<1000000xf32, #tpu.memory_space<hbm>>
        tpu.wait_dma2 semaphore(%arg9 : memref<!tpu.dma_semaphore, #tpu.memory_space<semaphore_mem>>) src(%dma_wait3A_78 : memref<1000000xf32, #tpu.memory_space<hbm>>) dst(%arg5 : memref<1000000xf32, #tpu.memory_space<vmem_shared>>)
      } else {
      }
      %barrier3A = arith.constant 0 : index
      tpu.barrier barrier_id(%barrier3A)
      %dma_start3A = arith.constant 0 : i32
      %dma_start3A_41 = arith.constant 0 : i32
      %dma_start3A_42 = arith.constant 0 : i32
      %dma_start3A_43 = tpu.memref_slice %arg7[%dma_start3A_41, %dma_start3A_42] : memref<1x7168xf32, #tpu.memory_space<vmem>> -> memref<1x7168xf32, #tpu.memory_space<vmem>>
      %dma_start3A_44 = tpu.memref_squeeze %dma_start3A_43 : memref<1x7168xf32, #tpu.memory_space<vmem>> -> memref<7168xf32, #tpu.memory_space<vmem>>
      %dma_start3A_45 = arith.constant 0 : i32
      %dma_start3A_46 = tpu.memref_slice %arg6[%dma_start3A, %dma_start3A_45] : memref<1x7168xi32, #tpu.memory_space<vmem>> -> memref<1x7168xi32, #tpu.memory_space<vmem>>
      %dma_start3A_47 = tpu.memref_squeeze %dma_start3A_46 : memref<1x7168xi32, #tpu.memory_space<vmem>> -> memref<7168xi32, #tpu.memory_space<vmem>>
      %dma_start3A_48 = arith.constant 0 : i32
      %dma_start3A_49 = tpu.memref_slice %arg5[%dma_start3A_48] : memref<1000000xf32, #tpu.memory_space<vmem_shared>> -> memref<1000000xf32, #tpu.memory_space<vmem_shared>>
      tpu.enqueue_indirect_dma source(%dma_start3A_49 : memref<1000000xf32, #tpu.memory_space<vmem_shared>>) target(%dma_start3A_44 : memref<7168xf32, #tpu.memory_space<vmem>>) offsets(%dma_start3A_47 : memref<7168xi32, #tpu.memory_space<vmem>>) semaphore(%arg10 : memref<!tpu.dma_semaphore, #tpu.memory_space<semaphore_mem>>)
      %dma_wait3A = arith.constant 0 : i32
      %dma_wait3A_50 = arith.constant 0 : i32
      %dma_wait3A_51 = arith.constant 0 : i32
      %dma_wait3A_52 = tpu.memref_slice %arg7[%dma_wait3A_50, %dma_wait3A_51] : memref<1x7168xf32, #tpu.memory_space<vmem>> -> memref<1x7168xf32, #tpu.memory_space<vmem>>
      %dma_wait3A_53 = tpu.memref_squeeze %dma_wait3A_52 : memref<1x7168xf32, #tpu.memory_space<vmem>> -> memref<7168xf32, #tpu.memory_space<vmem>>
      %dma_wait3A_54 = arith.constant 0 : i32
      %dma_wait3A_55 = tpu.memref_slice %arg6[%dma_wait3A, %dma_wait3A_54] : memref<1x7168xi32, #tpu.memory_space<vmem>> -> memref<1x7168xi32, #tpu.memory_space<vmem>>
      %dma_wait3A_56 = tpu.memref_squeeze %dma_wait3A_55 : memref<1x7168xi32, #tpu.memory_space<vmem>> -> memref<7168xi32, #tpu.memory_space<vmem>>
      %dma_wait3A_57 = arith.constant 0 : i32
      %dma_wait3A_58 = tpu.memref_slice %arg5[%dma_wait3A_57] : memref<1000000xf32, #tpu.memory_space<vmem_shared>> -> memref<1000000xf32, #tpu.memory_space<vmem_shared>>
      tpu.wait_indirect_dma semaphore(%arg10 : memref<!tpu.dma_semaphore, #tpu.memory_space<semaphore_mem>>) src(%dma_wait3A_58 : memref<1000000xf32, #tpu.memory_space<vmem_shared>>) dst(%dma_wait3A_53 : memref<7168xf32, #tpu.memory_space<vmem>>)
      %barrier3A_59 = arith.constant 0 : index
      tpu.barrier barrier_id(%barrier3A_59)
      %eq3A_60 = arith.constant 0 : i32
      %eq3A_61 = arith.cmpi eq, %arg1, %eq3A_60 : i32
      %add3A = arith.constant 1 : i32
      %add3A_62 = arith.addi %scan3A_34, %add3A : i32
      %lt3A = arith.constant 32 : i32
      %lt3A_63 = arith.cmpi slt, %add3A_62, %lt3A : i32
      %and3A = arith.andi %eq3A_61, %lt3A_63 : i1
      %convert_element_type3A_64 = arith.extui %and3A : i1 to i32
      %cond3A_65 = arith.constant 0 : i32
      %cond3A_66 = arith.cmpi ne, %convert_element_type3A_64, %cond3A_65 : i32
      scf.if %cond3A_66 {
        %add3A_75 = arith.addi %mul3A_0, %scan3A_34 : i32
        %add3A_76 = arith.constant 1 : i32
        %add3A_77 = arith.addi %add3A_75, %add3A_76 : i32
        %dma_start3A_78 = arith.constant 0 : i32
        %dma_start3A_79 = tpu.memref_slice %arg2[%add3A_77, %dma_start3A_78] : memref<64x1000000xf32, #tpu.memory_space<hbm>> -> memref<1x1000000xf32, #tpu.memory_space<hbm>>
        %dma_start3A_80 = tpu.memref_squeeze %dma_start3A_79 : memref<1x1000000xf32, #tpu.memory_space<hbm>> -> memref<1000000xf32, #tpu.memory_space<hbm>>
        tpu.enqueue_dma source(%dma_start3A_80 : memref<1000000xf32, #tpu.memory_space<hbm>>) target(%arg5 : memref<1000000xf32, #tpu.memory_space<vmem_shared>>) target_semaphore(%arg9 : memref<!tpu.dma_semaphore, #tpu.memory_space<semaphore_mem>>)
      } else {
      }
      %scan3A_67 = arith.constant 0 : i32
      %scan3A_68 = arith.constant 0 : i32
      %scan3A_69 = arith.constant 64 : i32
      %scan3A_70 = arith.addi %scan3A_68, %scan3A_69 : i32
      %scan3A_71 = arith.constant 1 : i32
      %scan3A_72 = scf.for %scan3A_75 = %scan3A_68 to %scan3A_70 step %scan3A_71 iter_args(%scan3A_76 = %scan3A_67) -> (i32)  : i32 {
        %mul3A_77 = arith.constant 16 : i32
        %mul3A_78 = arith.muli %scan3A_75, %mul3A_77 : i32
        %get3A = arith.constant 0 : i32
        %get3A_79 = arith.index_cast %get3A : i32 to index
        %get3A_80 = arith.index_cast %mul3A_78 : i32 to index
        %get3A_81 = tpu.vector_load %arg7[%get3A_79, %get3A_80] {strides = array<i32>} : memref<1x7168xf32, #tpu.memory_space<vmem>>, vector<16xf32>,
        %get3A_82 = arith.constant 0 : i32
        %get3A_83 = arith.constant 0 : i32
        %get3A_84 = arith.index_cast %get3A_82 : i32 to index
        %get3A_85 = arith.index_cast %get3A_83 : i32 to index
        %get3A_86 = arith.index_cast %mul3A_78 : i32 to index
        %get3A_87 = tpu.vector_load %arg8[%get3A_84, %get3A_85, %get3A_86] {strides = array<i32>} : memref<6x1x1024xf32, #tpu.memory_space<vmem>>, vector<16xf32>,
        %add3A_88 = arith.constant 1024 : i32
        %add3A_89 = arith.addi %add3A_88, %mul3A_78 : i32
        %get3A_90 = arith.constant 0 : i32
        %get3A_91 = arith.index_cast %get3A_90 : i32 to index
        %get3A_92 = arith.index_cast %add3A_89 : i32 to index
        %get3A_93 = tpu.vector_load %arg7[%get3A_91, %get3A_92] {strides = array<i32>} : memref<1x7168xf32, #tpu.memory_space<vmem>>, vector<16xf32>,
        %mul3A_94 = arith.mulf %get3A_81, %get3A_93 : vector<16xf32>
        %add3A_95 = arith.addf %get3A_87, %mul3A_94 : vector<16xf32>
        %swap3A = arith.constant 0 : i32
        %swap3A_96 = arith.constant 0 : i32
        %swap3A_97 = arith.index_cast %swap3A : i32 to index
        %swap3A_98 = arith.index_cast %swap3A_96 : i32 to index
        %swap3A_99 = arith.index_cast %mul3A_78 : i32 to index
        %swap3A_100 = tpu.vector_load %arg8[%swap3A_97, %swap3A_98, %swap3A_99] {strides = array<i32>} : memref<6x1x1024xf32, #tpu.memory_space<vmem>>, vector<16xf32>,
        tpu.vector_store %arg8[%swap3A_97, %swap3A_98, %swap3A_99], %add3A_95 {strides = array<i32>} : memref<6x1x1024xf32, #tpu.memory_space<vmem>>, vector<16xf32>,
        %get3A_101 = arith.constant 1 : i32
        %get3A_102 = arith.constant 0 : i32
        %get3A_103 = arith.index_cast %get3A_101 : i32 to index
        %get3A_104 = arith.index_cast %get3A_102 : i32 to index
        %get3A_105 = arith.index_cast %mul3A_78 : i32 to index
        %get3A_106 = tpu.vector_load %arg8[%get3A_103, %get3A_104, %get3A_105] {strides = array<i32>} : memref<6x1x1024xf32, #tpu.memory_space<vmem>>, vector<16xf32>,
        %add3A_107 = arith.constant 2048 : i32
        %add3A_108 = arith.addi %add3A_107, %mul3A_78 : i32
        %get3A_109 = arith.constant 0 : i32
        %get3A_110 = arith.index_cast %get3A_109 : i32 to index
        %get3A_111 = arith.index_cast %add3A_108 : i32 to index
        %get3A_112 = tpu.vector_load %arg7[%get3A_110, %get3A_111] {strides = array<i32>} : memref<1x7168xf32, #tpu.memory_space<vmem>>, vector<16xf32>,
        %mul3A_113 = arith.mulf %get3A_81, %get3A_112 : vector<16xf32>
        %add3A_114 = arith.addf %get3A_106, %mul3A_113 : vector<16xf32>
        %swap3A_115 = arith.constant 1 : i32
        %swap3A_116 = arith.constant 0 : i32
        %swap3A_117 = arith.index_cast %swap3A_115 : i32 to index
        %swap3A_118 = arith.index_cast %swap3A_116 : i32 to index
        %swap3A_119 = arith.index_cast %mul3A_78 : i32 to index
        %swap3A_120 = tpu.vector_load %arg8[%swap3A_117, %swap3A_118, %swap3A_119] {strides = array<i32>} : memref<6x1x1024xf32, #tpu.memory_space<vmem>>, vector<16xf32>,
        tpu.vector_store %arg8[%swap3A_117, %swap3A_118, %swap3A_119], %add3A_114 {strides = array<i32>} : memref<6x1x1024xf32, #tpu.memory_space<vmem>>, vector<16xf32>,
        %get3A_121 = arith.constant 2 : i32
        %get3A_122 = arith.constant 0 : i32
        %get3A_123 = arith.index_cast %get3A_121 : i32 to index
        %get3A_124 = arith.index_cast %get3A_122 : i32 to index
        %get3A_125 = arith.index_cast %mul3A_78 : i32 to index
        %get3A_126 = tpu.vector_load %arg8[%get3A_123, %get3A_124, %get3A_125] {strides = array<i32>} : memref<6x1x1024xf32, #tpu.memory_space<vmem>>, vector<16xf32>,
        %add3A_127 = arith.constant 3072 : i32
        %add3A_128 = arith.addi %add3A_127, %mul3A_78 : i32
        %get3A_129 = arith.constant 0 : i32
        %get3A_130 = arith.index_cast %get3A_129 : i32 to index
        %get3A_131 = arith.index_cast %add3A_128 : i32 to index
        %get3A_132 = tpu.vector_load %arg7[%get3A_130, %get3A_131] {strides = array<i32>} : memref<1x7168xf32, #tpu.memory_space<vmem>>, vector<16xf32>,
        %mul3A_133 = arith.mulf %get3A_81, %get3A_132 : vector<16xf32>
        %add3A_134 = arith.addf %get3A_126, %mul3A_133 : vector<16xf32>
        %swap3A_135 = arith.constant 2 : i32
        %swap3A_136 = arith.constant 0 : i32
        %swap3A_137 = arith.index_cast %swap3A_135 : i32 to index
        %swap3A_138 = arith.index_cast %swap3A_136 : i32 to index
        %swap3A_139 = arith.index_cast %mul3A_78 : i32 to index
        %swap3A_140 = tpu.vector_load %arg8[%swap3A_137, %swap3A_138, %swap3A_139] {strides = array<i32>} : memref<6x1x1024xf32, #tpu.memory_space<vmem>>, vector<16xf32>,
        tpu.vector_store %arg8[%swap3A_137, %swap3A_138, %swap3A_139], %add3A_134 {strides = array<i32>} : memref<6x1x1024xf32, #tpu.memory_space<vmem>>, vector<16xf32>,
        %get3A_141 = arith.constant 3 : i32
        %get3A_142 = arith.constant 0 : i32
        %get3A_143 = arith.index_cast %get3A_141 : i32 to index
        %get3A_144 = arith.index_cast %get3A_142 : i32 to index
        %get3A_145 = arith.index_cast %mul3A_78 : i32 to index
        %get3A_146 = tpu.vector_load %arg8[%get3A_143, %get3A_144, %get3A_145] {strides = array<i32>} : memref<6x1x1024xf32, #tpu.memory_space<vmem>>, vector<16xf32>,
        %add3A_147 = arith.constant 4096 : i32
        %add3A_148 = arith.addi %add3A_147, %mul3A_78 : i32
        %get3A_149 = arith.constant 0 : i32
        %get3A_150 = arith.index_cast %get3A_149 : i32 to index
        %get3A_151 = arith.index_cast %add3A_148 : i32 to index
        %get3A_152 = tpu.vector_load %arg7[%get3A_150, %get3A_151] {strides = array<i32>} : memref<1x7168xf32, #tpu.memory_space<vmem>>, vector<16xf32>,
        %mul3A_153 = arith.mulf %get3A_81, %get3A_152 : vector<16xf32>
        %add3A_154 = arith.addf %get3A_146, %mul3A_153 : vector<16xf32>
        %swap3A_155 = arith.constant 3 : i32
        %swap3A_156 = arith.constant 0 : i32
        %swap3A_157 = arith.index_cast %swap3A_155 : i32 to index
        %swap3A_158 = arith.index_cast %swap3A_156 : i32 to index
        %swap3A_159 = arith.index_cast %mul3A_78 : i32 to index
        %swap3A_160 = tpu.vector_load %arg8[%swap3A_157, %swap3A_158, %swap3A_159] {strides = array<i32>} : memref<6x1x1024xf32, #tpu.memory_space<vmem>>, vector<16xf32>,
        tpu.vector_store %arg8[%swap3A_157, %swap3A_158, %swap3A_159], %add3A_154 {strides = array<i32>} : memref<6x1x1024xf32, #tpu.memory_space<vmem>>, vector<16xf32>,
        %get3A_161 = arith.constant 4 : i32
        %get3A_162 = arith.constant 0 : i32
        %get3A_163 = arith.index_cast %get3A_161 : i32 to index
        %get3A_164 = arith.index_cast %get3A_162 : i32 to index
        %get3A_165 = arith.index_cast %mul3A_78 : i32 to index
        %get3A_166 = tpu.vector_load %arg8[%get3A_163, %get3A_164, %get3A_165] {strides = array<i32>} : memref<6x1x1024xf32, #tpu.memory_space<vmem>>, vector<16xf32>,
        %add3A_167 = arith.constant 5120 : i32
        %add3A_168 = arith.addi %add3A_167, %mul3A_78 : i32
        %get3A_169 = arith.constant 0 : i32
        %get3A_170 = arith.index_cast %get3A_169 : i32 to index
        %get3A_171 = arith.index_cast %add3A_168 : i32 to index
        %get3A_172 = tpu.vector_load %arg7[%get3A_170, %get3A_171] {strides = array<i32>} : memref<1x7168xf32, #tpu.memory_space<vmem>>, vector<16xf32>,
        %mul3A_173 = arith.mulf %get3A_81, %get3A_172 : vector<16xf32>
        %add3A_174 = arith.addf %get3A_166, %mul3A_173 : vector<16xf32>
        %swap3A_175 = arith.constant 4 : i32
        %swap3A_176 = arith.constant 0 : i32
        %swap3A_177 = arith.index_cast %swap3A_175 : i32 to index
        %swap3A_178 = arith.index_cast %swap3A_176 : i32 to index
        %swap3A_179 = arith.index_cast %mul3A_78 : i32 to index
        %swap3A_180 = tpu.vector_load %arg8[%swap3A_177, %swap3A_178, %swap3A_179] {strides = array<i32>} : memref<6x1x1024xf32, #tpu.memory_space<vmem>>, vector<16xf32>,
        tpu.vector_store %arg8[%swap3A_177, %swap3A_178, %swap3A_179], %add3A_174 {strides = array<i32>} : memref<6x1x1024xf32, #tpu.memory_space<vmem>>, vector<16xf32>,
        %get3A_181 = arith.constant 5 : i32
        %get3A_182 = arith.constant 0 : i32
        %get3A_183 = arith.index_cast %get3A_181 : i32 to index
        %get3A_184 = arith.index_cast %get3A_182 : i32 to index
        %get3A_185 = arith.index_cast %mul3A_78 : i32 to index
        %get3A_186 = tpu.vector_load %arg8[%get3A_183, %get3A_184, %get3A_185] {strides = array<i32>} : memref<6x1x1024xf32, #tpu.memory_space<vmem>>, vector<16xf32>,
        %add3A_187 = arith.constant 6144 : i32
        %add3A_188 = arith.addi %add3A_187, %mul3A_78 : i32
        %get3A_189 = arith.constant 0 : i32
        %get3A_190 = arith.index_cast %get3A_189 : i32 to index
        %get3A_191 = arith.index_cast %add3A_188 : i32 to index
        %get3A_192 = tpu.vector_load %arg7[%get3A_190, %get3A_191] {strides = array<i32>} : memref<1x7168xf32, #tpu.memory_space<vmem>>, vector<16xf32>,
        %mul3A_193 = arith.mulf %get3A_81, %get3A_192 : vector<16xf32>
        %add3A_194 = arith.addf %get3A_186, %mul3A_193 : vector<16xf32>
        %swap3A_195 = arith.constant 5 : i32
        %swap3A_196 = arith.constant 0 : i32
        %swap3A_197 = arith.index_cast %swap3A_195 : i32 to index
        %swap3A_198 = arith.index_cast %swap3A_196 : i32 to index
        %swap3A_199 = arith.index_cast %mul3A_78 : i32 to index
        %swap3A_200 = tpu.vector_load %arg8[%swap3A_197, %swap3A_198, %swap3A_199] {strides = array<i32>} : memref<6x1x1024xf32, #tpu.memory_space<vmem>>, vector<16xf32>,
        tpu.vector_store %arg8[%swap3A_197, %swap3A_198, %swap3A_199], %add3A_194 {strides = array<i32>} : memref<6x1x1024xf32, #tpu.memory_space<vmem>>, vector<16xf32>,
        %scan3A_201 = arith.constant 0 : i32
        scf.yield %scan3A_201 : i32
      }
      %scan3A_73 = arith.constant 64 : i32
      %scan3A_74 = arith.constant 0 : i32
      scf.yield %scan3A_74 : i32
    }
    %scan3A_16 = arith.constant 32 : i32
    %run_scoped3A = arith.constant 0 : i32
    %run_scoped3A_17 = arith.constant 0 : i32
    %run_scoped3A_18 = arith.constant 0 : i32
    "tpu.region"() ({
      %run_scoped3A_34 = tpu.sem_alloc : memref<!tpu.dma_semaphore, #tpu.memory_space<semaphore_mem>>
      %dma_start3A = arith.constant 0 : i32
      %dma_start3A_35 = tpu.memref_slice %arg8[%run_scoped3A, %run_scoped3A_17, %dma_start3A] : memref<6x1x1024xf32, #tpu.memory_space<vmem>> -> memref<1x1x1024xf32, #tpu.memory_space<vmem>>
      %dma_start3A_36 = tpu.memref_squeeze %dma_start3A_35 : memref<1x1x1024xf32, #tpu.memory_space<vmem>> -> memref<1024xf32, #tpu.memory_space<vmem>>
      %dma_start3A_37 = arith.constant 0 : i32
      %dma_start3A_38 = tpu.memref_slice %arg4[%arg0, %arg1, %run_scoped3A_18, %dma_start3A_37] : memref<2x16x6x1024xf32, #tpu.memory_space<hbm>> -> memref<1x1x1x1024xf32, #tpu.memory_space<hbm>>
      %dma_start3A_39 = tpu.memref_squeeze %dma_start3A_38 : memref<1x1x1x1024xf32, #tpu.memory_space<hbm>> -> memref<1024xf32, #tpu.memory_space<hbm>>
      %dma_start3A_40 = arith.constant 0 : i32
      %dma_start3A_41 = tpu.memref_slice %arg4[%arg0, %arg1, %run_scoped3A_18, %dma_start3A_40] : memref<2x16x6x1024xf32, #tpu.memory_space<hbm>> -> memref<1x1x1x1024xf32, #tpu.memory_space<hbm>>
      %dma_start3A_42 = tpu.memref_squeeze %dma_start3A_41 : memref<1x1x1x1024xf32, #tpu.memory_space<hbm>> -> memref<1024xf32, #tpu.memory_space<hbm>>
      %dma_start3A_43 = arith.constant 0 : i32
      %dma_start3A_44 = tpu.memref_slice %arg8[%run_scoped3A, %run_scoped3A_17, %dma_start3A_43] : memref<6x1x1024xf32, #tpu.memory_space<vmem>> -> memref<1x1x1024xf32, #tpu.memory_space<vmem>>
      %dma_start3A_45 = tpu.memref_squeeze %dma_start3A_44 : memref<1x1x1024xf32, #tpu.memory_space<vmem>> -> memref<1024xf32, #tpu.memory_space<vmem>>
      tpu.enqueue_dma source(%dma_start3A_45 : memref<1024xf32, #tpu.memory_space<vmem>>) target(%dma_start3A_42 : memref<1024xf32, #tpu.memory_space<hbm>>) target_semaphore(%run_scoped3A_34 : memref<!tpu.dma_semaphore, #tpu.memory_space<semaphore_mem>>)
      %dma_wait3A = arith.constant 0 : i32
      %dma_wait3A_46 = tpu.memref_slice %arg8[%run_scoped3A, %run_scoped3A_17, %dma_wait3A] : memref<6x1x1024xf32, #tpu.memory_space<vmem>> -> memref<1x1x1024xf32, #tpu.memory_space<vmem>>
      %dma_wait3A_47 = tpu.memref_squeeze %dma_wait3A_46 : memref<1x1x1024xf32, #tpu.memory_space<vmem>> -> memref<1024xf32, #tpu.memory_space<vmem>>
      %dma_wait3A_48 = arith.constant 0 : i32
      %dma_wait3A_49 = tpu.memref_slice %arg4[%arg0, %arg1, %run_scoped3A_18, %dma_wait3A_48] : memref<2x16x6x1024xf32, #tpu.memory_space<hbm>> -> memref<1x1x1x1024xf32, #tpu.memory_space<hbm>>
      %dma_wait3A_50 = tpu.memref_squeeze %dma_wait3A_49 : memref<1x1x1x1024xf32, #tpu.memory_space<hbm>> -> memref<1024xf32, #tpu.memory_space<hbm>>
      %dma_wait3A_51 = arith.constant 0 : i32
      %dma_wait3A_52 = tpu.memref_slice %arg4[%arg0, %arg1, %run_scoped3A_18, %dma_wait3A_51] : memref<2x16x6x1024xf32, #tpu.memory_space<hbm>> -> memref<1x1x1x1024xf32, #tpu.memory_space<hbm>>
      %dma_wait3A_53 = tpu.memref_squeeze %dma_wait3A_52 : memref<1x1x1x1024xf32, #tpu.memory_space<hbm>> -> memref<1024xf32, #tpu.memory_space<hbm>>
      %dma_wait3A_54 = arith.constant 0 : i32
      %dma_wait3A_55 = tpu.memref_slice %arg8[%run_scoped3A, %run_scoped3A_17, %dma_wait3A_54] : memref<6x1x1024xf32, #tpu.memory_space<vmem>> -> memref<1x1x1024xf32, #tpu.memory_space<vmem>>
      %dma_wait3A_56 = tpu.memref_squeeze %dma_wait3A_55 : memref<1x1x1024xf32, #tpu.memory_space<vmem>> -> memref<1024xf32, #tpu.memory_space<vmem>>
      tpu.wait_dma2 semaphore(%run_scoped3A_34 : memref<!tpu.dma_semaphore, #tpu.memory_space<semaphore_mem>>) src(%dma_wait3A_56 : memref<1024xf32, #tpu.memory_space<vmem>>) dst(%dma_wait3A_53 : memref<1024xf32, #tpu.memory_space<hbm>>)
      tpu.yield
    }) : () -> ()
    %run_scoped3A_19 = arith.constant 1 : i32
    %run_scoped3A_20 = arith.constant 0 : i32
    %run_scoped3A_21 = arith.constant 1 : i32
    "tpu.region"() ({
      %run_scoped3A_34 = tpu.sem_alloc : memref<!tpu.dma_semaphore, #tpu.memory_space<semaphore_mem>>
      %dma_start3A = arith.constant 0 : i32
      %dma_start3A_35 = tpu.memref_slice %arg8[%run_scoped3A_19, %run_scoped3A_20, %dma_start3A] : memref<6x1x1024xf32, #tpu.memory_space<vmem>> -> memref<1x1x1024xf32, #tpu.memory_space<vmem>>
      %dma_start3A_36 = tpu.memref_squeeze %dma_start3A_35 : memref<1x1x1024xf32, #tpu.memory_space<vmem>> -> memref<1024xf32, #tpu.memory_space<vmem>>
      %dma_start3A_37 = arith.constant 0 : i32
      %dma_start3A_38 = tpu.memref_slice %arg4[%arg0, %arg1, %run_scoped3A_21, %dma_start3A_37] : memref<2x16x6x1024xf32, #tpu.memory_space<hbm>> -> memref<1x1x1x1024xf32, #tpu.memory_space<hbm>>
      %dma_start3A_39 = tpu.memref_squeeze %dma_start3A_38 : memref<1x1x1x1024xf32, #tpu.memory_space<hbm>> -> memref<1024xf32, #tpu.memory_space<hbm>>
      %dma_start3A_40 = arith.constant 0 : i32
      %dma_start3A_41 = tpu.memref_slice %arg4[%arg0, %arg1, %run_scoped3A_21, %dma_start3A_40] : memref<2x16x6x1024xf32, #tpu.memory_space<hbm>> -> memref<1x1x1x1024xf32, #tpu.memory_space<hbm>>
      %dma_start3A_42 = tpu.memref_squeeze %dma_start3A_41 : memref<1x1x1x1024xf32, #tpu.memory_space<hbm>> -> memref<1024xf32, #tpu.memory_space<hbm>>
      %dma_start3A_43 = arith.constant 0 : i32
      %dma_start3A_44 = tpu.memref_slice %arg8[%run_scoped3A_19, %run_scoped3A_20, %dma_start3A_43] : memref<6x1x1024xf32, #tpu.memory_space<vmem>> -> memref<1x1x1024xf32, #tpu.memory_space<vmem>>
      %dma_start3A_45 = tpu.memref_squeeze %dma_start3A_44 : memref<1x1x1024xf32, #tpu.memory_space<vmem>> -> memref<1024xf32, #tpu.memory_space<vmem>>
      tpu.enqueue_dma source(%dma_start3A_45 : memref<1024xf32, #tpu.memory_space<vmem>>) target(%dma_start3A_42 : memref<1024xf32, #tpu.memory_space<hbm>>) target_semaphore(%run_scoped3A_34 : memref<!tpu.dma_semaphore, #tpu.memory_space<semaphore_mem>>)
      %dma_wait3A = arith.constant 0 : i32
      %dma_wait3A_46 = tpu.memref_slice %arg8[%run_scoped3A_19, %run_scoped3A_20, %dma_wait3A] : memref<6x1x1024xf32, #tpu.memory_space<vmem>> -> memref<1x1x1024xf32, #tpu.memory_space<vmem>>
      %dma_wait3A_47 = tpu.memref_squeeze %dma_wait3A_46 : memref<1x1x1024xf32, #tpu.memory_space<vmem>> -> memref<1024xf32, #tpu.memory_space<vmem>>
      %dma_wait3A_48 = arith.constant 0 : i32
      %dma_wait3A_49 = tpu.memref_slice %arg4[%arg0, %arg1, %run_scoped3A_21, %dma_wait3A_48] : memref<2x16x6x1024xf32, #tpu.memory_space<hbm>> -> memref<1x1x1x1024xf32, #tpu.memory_space<hbm>>
      %dma_wait3A_50 = tpu.memref_squeeze %dma_wait3A_49 : memref<1x1x1x1024xf32, #tpu.memory_space<hbm>> -> memref<1024xf32, #tpu.memory_space<hbm>>
      %dma_wait3A_51 = arith.constant 0 : i32
      %dma_wait3A_52 = tpu.memref_slice %arg4[%arg0, %arg1, %run_scoped3A_21, %dma_wait3A_51] : memref<2x16x6x1024xf32, #tpu.memory_space<hbm>> -> memref<1x1x1x1024xf32, #tpu.memory_space<hbm>>
      %dma_wait3A_53 = tpu.memref_squeeze %dma_wait3A_52 : memref<1x1x1x1024xf32, #tpu.memory_space<hbm>> -> memref<1024xf32, #tpu.memory_space<hbm>>
      %dma_wait3A_54 = arith.constant 0 : i32
      %dma_wait3A_55 = tpu.memref_slice %arg8[%run_scoped3A_19, %run_scoped3A_20, %dma_wait3A_54] : memref<6x1x1024xf32, #tpu.memory_space<vmem>> -> memref<1x1x1024xf32, #tpu.memory_space<vmem>>
      %dma_wait3A_56 = tpu.memref_squeeze %dma_wait3A_55 : memref<1x1x1024xf32, #tpu.memory_space<vmem>> -> memref<1024xf32, #tpu.memory_space<vmem>>
      tpu.wait_dma2 semaphore(%run_scoped3A_34 : memref<!tpu.dma_semaphore, #tpu.memory_space<semaphore_mem>>) src(%dma_wait3A_56 : memref<1024xf32, #tpu.memory_space<vmem>>) dst(%dma_wait3A_53 : memref<1024xf32, #tpu.memory_space<hbm>>)
      tpu.yield
    }) : () -> ()
    %run_scoped3A_22 = arith.constant 2 : i32
    %run_scoped3A_23 = arith.constant 0 : i32
    %run_scoped3A_24 = arith.constant 2 : i32
    "tpu.region"() ({
      %run_scoped3A_34 = tpu.sem_alloc : memref<!tpu.dma_semaphore, #tpu.memory_space<semaphore_mem>>
      %dma_start3A = arith.constant 0 : i32
      %dma_start3A_35 = tpu.memref_slice %arg8[%run_scoped3A_22, %run_scoped3A_23, %dma_start3A] : memref<6x1x1024xf32, #tpu.memory_space<vmem>> -> memref<1x1x1024xf32, #tpu.memory_space<vmem>>
      %dma_start3A_36 = tpu.memref_squeeze %dma_start3A_35 : memref<1x1x1024xf32, #tpu.memory_space<vmem>> -> memref<1024xf32, #tpu.memory_space<vmem>>
      %dma_start3A_37 = arith.constant 0 : i32
      %dma_start3A_38 = tpu.memref_slice %arg4[%arg0, %arg1, %run_scoped3A_24, %dma_start3A_37] : memref<2x16x6x1024xf32, #tpu.memory_space<hbm>> -> memref<1x1x1x1024xf32, #tpu.memory_space<hbm>>
      %dma_start3A_39 = tpu.memref_squeeze %dma_start3A_38 : memref<1x1x1x1024xf32, #tpu.memory_space<hbm>> -> memref<1024xf32, #tpu.memory_space<hbm>>
      %dma_start3A_40 = arith.constant 0 : i32
      %dma_start3A_41 = tpu.memref_slice %arg4[%arg0, %arg1, %run_scoped3A_24, %dma_start3A_40] : memref<2x16x6x1024xf32, #tpu.memory_space<hbm>> -> memref<1x1x1x1024xf32, #tpu.memory_space<hbm>>
      %dma_start3A_42 = tpu.memref_squeeze %dma_start3A_41 : memref<1x1x1x1024xf32, #tpu.memory_space<hbm>> -> memref<1024xf32, #tpu.memory_space<hbm>>
      %dma_start3A_43 = arith.constant 0 : i32
      %dma_start3A_44 = tpu.memref_slice %arg8[%run_scoped3A_22, %run_scoped3A_23, %dma_start3A_43] : memref<6x1x1024xf32, #tpu.memory_space<vmem>> -> memref<1x1x1024xf32, #tpu.memory_space<vmem>>
      %dma_start3A_45 = tpu.memref_squeeze %dma_start3A_44 : memref<1x1x1024xf32, #tpu.memory_space<vmem>> -> memref<1024xf32, #tpu.memory_space<vmem>>
      tpu.enqueue_dma source(%dma_start3A_45 : memref<1024xf32, #tpu.memory_space<vmem>>) target(%dma_start3A_42 : memref<1024xf32, #tpu.memory_space<hbm>>) target_semaphore(%run_scoped3A_34 : memref<!tpu.dma_semaphore, #tpu.memory_space<semaphore_mem>>)
      %dma_wait3A = arith.constant 0 : i32
      %dma_wait3A_46 = tpu.memref_slice %arg8[%run_scoped3A_22, %run_scoped3A_23, %dma_wait3A] : memref<6x1x1024xf32, #tpu.memory_space<vmem>> -> memref<1x1x1024xf32, #tpu.memory_space<vmem>>
      %dma_wait3A_47 = tpu.memref_squeeze %dma_wait3A_46 : memref<1x1x1024xf32, #tpu.memory_space<vmem>> -> memref<1024xf32, #tpu.memory_space<vmem>>
      %dma_wait3A_48 = arith.constant 0 : i32
      %dma_wait3A_49 = tpu.memref_slice %arg4[%arg0, %arg1, %run_scoped3A_24, %dma_wait3A_48] : memref<2x16x6x1024xf32, #tpu.memory_space<hbm>> -> memref<1x1x1x1024xf32, #tpu.memory_space<hbm>>
      %dma_wait3A_50 = tpu.memref_squeeze %dma_wait3A_49 : memref<1x1x1x1024xf32, #tpu.memory_space<hbm>> -> memref<1024xf32, #tpu.memory_space<hbm>>
      %dma_wait3A_51 = arith.constant 0 : i32
      %dma_wait3A_52 = tpu.memref_slice %arg4[%arg0, %arg1, %run_scoped3A_24, %dma_wait3A_51] : memref<2x16x6x1024xf32, #tpu.memory_space<hbm>> -> memref<1x1x1x1024xf32, #tpu.memory_space<hbm>>
      %dma_wait3A_53 = tpu.memref_squeeze %dma_wait3A_52 : memref<1x1x1x1024xf32, #tpu.memory_space<hbm>> -> memref<1024xf32, #tpu.memory_space<hbm>>
      %dma_wait3A_54 = arith.constant 0 : i32
      %dma_wait3A_55 = tpu.memref_slice %arg8[%run_scoped3A_22, %run_scoped3A_23, %dma_wait3A_54] : memref<6x1x1024xf32, #tpu.memory_space<vmem>> -> memref<1x1x1024xf32, #tpu.memory_space<vmem>>
      %dma_wait3A_56 = tpu.memref_squeeze %dma_wait3A_55 : memref<1x1x1024xf32, #tpu.memory_space<vmem>> -> memref<1024xf32, #tpu.memory_space<vmem>>
      tpu.wait_dma2 semaphore(%run_scoped3A_34 : memref<!tpu.dma_semaphore, #tpu.memory_space<semaphore_mem>>) src(%dma_wait3A_56 : memref<1024xf32, #tpu.memory_space<vmem>>) dst(%dma_wait3A_53 : memref<1024xf32, #tpu.memory_space<hbm>>)
      tpu.yield
    }) : () -> ()
    %run_scoped3A_25 = arith.constant 3 : i32
    %run_scoped3A_26 = arith.constant 0 : i32
    %run_scoped3A_27 = arith.constant 3 : i32
    "tpu.region"() ({
      %run_scoped3A_34 = tpu.sem_alloc : memref<!tpu.dma_semaphore, #tpu.memory_space<semaphore_mem>>
      %dma_start3A = arith.constant 0 : i32
      %dma_start3A_35 = tpu.memref_slice %arg8[%run_scoped3A_25, %run_scoped3A_26, %dma_start3A] : memref<6x1x1024xf32, #tpu.memory_space<vmem>> -> memref<1x1x1024xf32, #tpu.memory_space<vmem>>
      %dma_start3A_36 = tpu.memref_squeeze %dma_start3A_35 : memref<1x1x1024xf32, #tpu.memory_space<vmem>> -> memref<1024xf32, #tpu.memory_space<vmem>>
      %dma_start3A_37 = arith.constant 0 : i32
      %dma_start3A_38 = tpu.memref_slice %arg4[%arg0, %arg1, %run_scoped3A_27, %dma_start3A_37] : memref<2x16x6x1024xf32, #tpu.memory_space<hbm>> -> memref<1x1x1x1024xf32, #tpu.memory_space<hbm>>
      %dma_start3A_39 = tpu.memref_squeeze %dma_start3A_38 : memref<1x1x1x1024xf32, #tpu.memory_space<hbm>> -> memref<1024xf32, #tpu.memory_space<hbm>>
      %dma_start3A_40 = arith.constant 0 : i32
      %dma_start3A_41 = tpu.memref_slice %arg4[%arg0, %arg1, %run_scoped3A_27, %dma_start3A_40] : memref<2x16x6x1024xf32, #tpu.memory_space<hbm>> -> memref<1x1x1x1024xf32, #tpu.memory_space<hbm>>
      %dma_start3A_42 = tpu.memref_squeeze %dma_start3A_41 : memref<1x1x1x1024xf32, #tpu.memory_space<hbm>> -> memref<1024xf32, #tpu.memory_space<hbm>>
      %dma_start3A_43 = arith.constant 0 : i32
      %dma_start3A_44 = tpu.memref_slice %arg8[%run_scoped3A_25, %run_scoped3A_26, %dma_start3A_43] : memref<6x1x1024xf32, #tpu.memory_space<vmem>> -> memref<1x1x1024xf32, #tpu.memory_space<vmem>>
      %dma_start3A_45 = tpu.memref_squeeze %dma_start3A_44 : memref<1x1x1024xf32, #tpu.memory_space<vmem>> -> memref<1024xf32, #tpu.memory_space<vmem>>
      tpu.enqueue_dma source(%dma_start3A_45 : memref<1024xf32, #tpu.memory_space<vmem>>) target(%dma_start3A_42 : memref<1024xf32, #tpu.memory_space<hbm>>) target_semaphore(%run_scoped3A_34 : memref<!tpu.dma_semaphore, #tpu.memory_space<semaphore_mem>>)
      %dma_wait3A = arith.constant 0 : i32
      %dma_wait3A_46 = tpu.memref_slice %arg8[%run_scoped3A_25, %run_scoped3A_26, %dma_wait3A] : memref<6x1x1024xf32, #tpu.memory_space<vmem>> -> memref<1x1x1024xf32, #tpu.memory_space<vmem>>
      %dma_wait3A_47 = tpu.memref_squeeze %dma_wait3A_46 : memref<1x1x1024xf32, #tpu.memory_space<vmem>> -> memref<1024xf32, #tpu.memory_space<vmem>>
      %dma_wait3A_48 = arith.constant 0 : i32
      %dma_wait3A_49 = tpu.memref_slice %arg4[%arg0, %arg1, %run_scoped3A_27, %dma_wait3A_48] : memref<2x16x6x1024xf32, #tpu.memory_space<hbm>> -> memref<1x1x1x1024xf32, #tpu.memory_space<hbm>>
      %dma_wait3A_50 = tpu.memref_squeeze %dma_wait3A_49 : memref<1x1x1x1024xf32, #tpu.memory_space<hbm>> -> memref<1024xf32, #tpu.memory_space<hbm>>
      %dma_wait3A_51 = arith.constant 0 : i32
      %dma_wait3A_52 = tpu.memref_slice %arg4[%arg0, %arg1, %run_scoped3A_27, %dma_wait3A_51] : memref<2x16x6x1024xf32, #tpu.memory_space<hbm>> -> memref<1x1x1x1024xf32, #tpu.memory_space<hbm>>
      %dma_wait3A_53 = tpu.memref_squeeze %dma_wait3A_52 : memref<1x1x1x1024xf32, #tpu.memory_space<hbm>> -> memref<1024xf32, #tpu.memory_space<hbm>>
      %dma_wait3A_54 = arith.constant 0 : i32
      %dma_wait3A_55 = tpu.memref_slice %arg8[%run_scoped3A_25, %run_scoped3A_26, %dma_wait3A_54] : memref<6x1x1024xf32, #tpu.memory_space<vmem>> -> memref<1x1x1024xf32, #tpu.memory_space<vmem>>
      %dma_wait3A_56 = tpu.memref_squeeze %dma_wait3A_55 : memref<1x1x1024xf32, #tpu.memory_space<vmem>> -> memref<1024xf32, #tpu.memory_space<vmem>>
      tpu.wait_dma2 semaphore(%run_scoped3A_34 : memref<!tpu.dma_semaphore, #tpu.memory_space<semaphore_mem>>) src(%dma_wait3A_56 : memref<1024xf32, #tpu.memory_space<vmem>>) dst(%dma_wait3A_53 : memref<1024xf32, #tpu.memory_space<hbm>>)
      tpu.yield
    }) : () -> ()
    %run_scoped3A_28 = arith.constant 4 : i32
    %run_scoped3A_29 = arith.constant 0 : i32
    %run_scoped3A_30 = arith.constant 4 : i32
    "tpu.region"() ({
      %run_scoped3A_34 = tpu.sem_alloc : memref<!tpu.dma_semaphore, #tpu.memory_space<semaphore_mem>>
      %dma_start3A = arith.constant 0 : i32
      %dma_start3A_35 = tpu.memref_slice %arg8[%run_scoped3A_28, %run_scoped3A_29, %dma_start3A] : memref<6x1x1024xf32, #tpu.memory_space<vmem>> -> memref<1x1x1024xf32, #tpu.memory_space<vmem>>
      %dma_start3A_36 = tpu.memref_squeeze %dma_start3A_35 : memref<1x1x1024xf32, #tpu.memory_space<vmem>> -> memref<1024xf32, #tpu.memory_space<vmem>>
      %dma_start3A_37 = arith.constant 0 : i32
      %dma_start3A_38 = tpu.memref_slice %arg4[%arg0, %arg1, %run_scoped3A_30, %dma_start3A_37] : memref<2x16x6x1024xf32, #tpu.memory_space<hbm>> -> memref<1x1x1x1024xf32, #tpu.memory_space<hbm>>
      %dma_start3A_39 = tpu.memref_squeeze %dma_start3A_38 : memref<1x1x1x1024xf32, #tpu.memory_space<hbm>> -> memref<1024xf32, #tpu.memory_space<hbm>>
      %dma_start3A_40 = arith.constant 0 : i32
      %dma_start3A_41 = tpu.memref_slice %arg4[%arg0, %arg1, %run_scoped3A_30, %dma_start3A_40] : memref<2x16x6x1024xf32, #tpu.memory_space<hbm>> -> memref<1x1x1x1024xf32, #tpu.memory_space<hbm>>
      %dma_start3A_42 = tpu.memref_squeeze %dma_start3A_41 : memref<1x1x1x1024xf32, #tpu.memory_space<hbm>> -> memref<1024xf32, #tpu.memory_space<hbm>>
      %dma_start3A_43 = arith.constant 0 : i32
      %dma_start3A_44 = tpu.memref_slice %arg8[%run_scoped3A_28, %run_scoped3A_29, %dma_start3A_43] : memref<6x1x1024xf32, #tpu.memory_space<vmem>> -> memref<1x1x1024xf32, #tpu.memory_space<vmem>>
      %dma_start3A_45 = tpu.memref_squeeze %dma_start3A_44 : memref<1x1x1024xf32, #tpu.memory_space<vmem>> -> memref<1024xf32, #tpu.memory_space<vmem>>
      tpu.enqueue_dma source(%dma_start3A_45 : memref<1024xf32, #tpu.memory_space<vmem>>) target(%dma_start3A_42 : memref<1024xf32, #tpu.memory_space<hbm>>) target_semaphore(%run_scoped3A_34 : memref<!tpu.dma_semaphore, #tpu.memory_space<semaphore_mem>>)
      %dma_wait3A = arith.constant 0 : i32
      %dma_wait3A_46 = tpu.memref_slice %arg8[%run_scoped3A_28, %run_scoped3A_29, %dma_wait3A] : memref<6x1x1024xf32, #tpu.memory_space<vmem>> -> memref<1x1x1024xf32, #tpu.memory_space<vmem>>
      %dma_wait3A_47 = tpu.memref_squeeze %dma_wait3A_46 : memref<1x1x1024xf32, #tpu.memory_space<vmem>> -> memref<1024xf32, #tpu.memory_space<vmem>>
      %dma_wait3A_48 = arith.constant 0 : i32
      %dma_wait3A_49 = tpu.memref_slice %arg4[%arg0, %arg1, %run_scoped3A_30, %dma_wait3A_48] : memref<2x16x6x1024xf32, #tpu.memory_space<hbm>> -> memref<1x1x1x1024xf32, #tpu.memory_space<hbm>>
      %dma_wait3A_50 = tpu.memref_squeeze %dma_wait3A_49 : memref<1x1x1x1024xf32, #tpu.memory_space<hbm>> -> memref<1024xf32, #tpu.memory_space<hbm>>
      %dma_wait3A_51 = arith.constant 0 : i32
      %dma_wait3A_52 = tpu.memref_slice %arg4[%arg0, %arg1, %run_scoped3A_30, %dma_wait3A_51] : memref<2x16x6x1024xf32, #tpu.memory_space<hbm>> -> memref<1x1x1x1024xf32, #tpu.memory_space<hbm>>
      %dma_wait3A_53 = tpu.memref_squeeze %dma_wait3A_52 : memref<1x1x1x1024xf32, #tpu.memory_space<hbm>> -> memref<1024xf32, #tpu.memory_space<hbm>>
      %dma_wait3A_54 = arith.constant 0 : i32
      %dma_wait3A_55 = tpu.memref_slice %arg8[%run_scoped3A_28, %run_scoped3A_29, %dma_wait3A_54] : memref<6x1x1024xf32, #tpu.memory_space<vmem>> -> memref<1x1x1024xf32, #tpu.memory_space<vmem>>
      %dma_wait3A_56 = tpu.memref_squeeze %dma_wait3A_55 : memref<1x1x1024xf32, #tpu.memory_space<vmem>> -> memref<1024xf32, #tpu.memory_space<vmem>>
      tpu.wait_dma2 semaphore(%run_scoped3A_34 : memref<!tpu.dma_semaphore, #tpu.memory_space<semaphore_mem>>) src(%dma_wait3A_56 : memref<1024xf32, #tpu.memory_space<vmem>>) dst(%dma_wait3A_53 : memref<1024xf32, #tpu.memory_space<hbm>>)
      tpu.yield
    }) : () -> ()
    %run_scoped3A_31 = arith.constant 5 : i32
    %run_scoped3A_32 = arith.constant 0 : i32
    %run_scoped3A_33 = arith.constant 5 : i32
    "tpu.region"() ({
      %run_scoped3A_34 = tpu.sem_alloc : memref<!tpu.dma_semaphore, #tpu.memory_space<semaphore_mem>>
      %dma_start3A = arith.constant 0 : i32
      %dma_start3A_35 = tpu.memref_slice %arg8[%run_scoped3A_31, %run_scoped3A_32, %dma_start3A] : memref<6x1x1024xf32, #tpu.memory_space<vmem>> -> memref<1x1x1024xf32, #tpu.memory_space<vmem>>
      %dma_start3A_36 = tpu.memref_squeeze %dma_start3A_35 : memref<1x1x1024xf32, #tpu.memory_space<vmem>> -> memref<1024xf32, #tpu.memory_space<vmem>>
      %dma_start3A_37 = arith.constant 0 : i32
      %dma_start3A_38 = tpu.memref_slice %arg4[%arg0, %arg1, %run_scoped3A_33, %dma_start3A_37] : memref<2x16x6x1024xf32, #tpu.memory_space<hbm>> -> memref<1x1x1x1024xf32, #tpu.memory_space<hbm>>
      %dma_start3A_39 = tpu.memref_squeeze %dma_start3A_38 : memref<1x1x1x1024xf32, #tpu.memory_space<hbm>> -> memref<1024xf32, #tpu.memory_space<hbm>>
      %dma_start3A_40 = arith.constant 0 : i32
      %dma_start3A_41 = tpu.memref_slice %arg4[%arg0, %arg1, %run_scoped3A_33, %dma_start3A_40] : memref<2x16x6x1024xf32, #tpu.memory_space<hbm>> -> memref<1x1x1x1024xf32, #tpu.memory_space<hbm>>
      %dma_start3A_42 = tpu.memref_squeeze %dma_start3A_41 : memref<1x1x1x1024xf32, #tpu.memory_space<hbm>> -> memref<1024xf32, #tpu.memory_space<hbm>>
      %dma_start3A_43 = arith.constant 0 : i32
      %dma_start3A_44 = tpu.memref_slice %arg8[%run_scoped3A_31, %run_scoped3A_32, %dma_start3A_43] : memref<6x1x1024xf32, #tpu.memory_space<vmem>> -> memref<1x1x1024xf32, #tpu.memory_space<vmem>>
      %dma_start3A_45 = tpu.memref_squeeze %dma_start3A_44 : memref<1x1x1024xf32, #tpu.memory_space<vmem>> -> memref<1024xf32, #tpu.memory_space<vmem>>
      tpu.enqueue_dma source(%dma_start3A_45 : memref<1024xf32, #tpu.memory_space<vmem>>) target(%dma_start3A_42 : memref<1024xf32, #tpu.memory_space<hbm>>) target_semaphore(%run_scoped3A_34 : memref<!tpu.dma_semaphore, #tpu.memory_space<semaphore_mem>>)
      %dma_wait3A = arith.constant 0 : i32
      %dma_wait3A_46 = tpu.memref_slice %arg8[%run_scoped3A_31, %run_scoped3A_32, %dma_wait3A] : memref<6x1x1024xf32, #tpu.memory_space<vmem>> -> memref<1x1x1024xf32, #tpu.memory_space<vmem>>
      %dma_wait3A_47 = tpu.memref_squeeze %dma_wait3A_46 : memref<1x1x1024xf32, #tpu.memory_space<vmem>> -> memref<1024xf32, #tpu.memory_space<vmem>>
      %dma_wait3A_48 = arith.constant 0 : i32
      %dma_wait3A_49 = tpu.memref_slice %arg4[%arg0, %arg1, %run_scoped3A_33, %dma_wait3A_48] : memref<2x16x6x1024xf32, #tpu.memory_space<hbm>> -> memref<1x1x1x1024xf32, #tpu.memory_space<hbm>>
      %dma_wait3A_50 = tpu.memref_squeeze %dma_wait3A_49 : memref<1x1x1x1024xf32, #tpu.memory_space<hbm>> -> memref<1024xf32, #tpu.memory_space<hbm>>
      %dma_wait3A_51 = arith.constant 0 : i32
      %dma_wait3A_52 = tpu.memref_slice %arg4[%arg0, %arg1, %run_scoped3A_33, %dma_wait3A_51] : memref<2x16x6x1024xf32, #tpu.memory_space<hbm>> -> memref<1x1x1x1024xf32, #tpu.memory_space<hbm>>
      %dma_wait3A_53 = tpu.memref_squeeze %dma_wait3A_52 : memref<1x1x1x1024xf32, #tpu.memory_space<hbm>> -> memref<1024xf32, #tpu.memory_space<hbm>>
      %dma_wait3A_54 = arith.constant 0 : i32
      %dma_wait3A_55 = tpu.memref_slice %arg8[%run_scoped3A_31, %run_scoped3A_32, %dma_wait3A_54] : memref<6x1x1024xf32, #tpu.memory_space<vmem>> -> memref<1x1x1024xf32, #tpu.memory_space<vmem>>
      %dma_wait3A_56 = tpu.memref_squeeze %dma_wait3A_55 : memref<1x1x1024xf32, #tpu.memory_space<vmem>> -> memref<1024xf32, #tpu.memory_space<vmem>>
      tpu.wait_dma2 semaphore(%run_scoped3A_34 : memref<!tpu.dma_semaphore, #tpu.memory_space<semaphore_mem>>) src(%dma_wait3A_56 : memref<1024xf32, #tpu.memory_space<vmem>>) dst(%dma_wait3A_53 : memref<1024xf32, #tpu.memory_space<hbm>>)
      tpu.yield
    }) : () -> ()
    return
  }
}

module attributes {stable_mosaic.version = 14 : i64} {
  func.func @body(%arg0: memref<2x96x1024xf32, #tpu.memory_space<vmem>>, %arg1: memref<1x1xf32, #tpu.memory_space<smem>>) attributes {dimension_semantics = [], scalar_prefetch = 0 : i64, scratch_operands = 0 : i64, tpu.core_type = #tpu.core_type<tc>} {
    %get3A = arith.constant 0 : index
    %get3A_0 = arith.constant 0 : index
    %get3A_1 = arith.constant 0 : index
    %get3A_2 = vector.load %arg0[%get3A, %get3A_0, %get3A_1] : memref<2x96x1024xf32, #tpu.memory_space<vmem>>, vector<1x96x1024xf32>
    %get3A_3 = vector.shape_cast %get3A_2 : vector<1x96x1024xf32> to vector<96x1024xf32>
    %get3A_4 = arith.constant 1 : index
    %get3A_5 = arith.constant 0 : index
    %get3A_6 = arith.constant 0 : index
    %get3A_7 = vector.load %arg0[%get3A_4, %get3A_5, %get3A_6] : memref<2x96x1024xf32, #tpu.memory_space<vmem>>, vector<1x96x1024xf32>
    %get3A_8 = vector.shape_cast %get3A_7 : vector<1x96x1024xf32> to vector<96x1024xf32>
    %add3A = arith.addf %get3A_3, %get3A_8 : vector<96x1024xf32>
    %min3A = arith.constant 0.000000e+00 : f32
    %min3A_9 = vector.broadcast %min3A : f32 to vector<96x1024xf32>
    %min3A_10 = arith.minimumf %add3A, %min3A_9 : vector<96x1024xf32>
    %abs3A = math.absf %add3A : vector<96x1024xf32>
    %neg3A = arith.constant 0.000000e+00 : f32
    %neg3A_11 = vector.broadcast %neg3A : f32 to vector<96x1024xf32>
    %neg3A_12 = arith.subf %neg3A_11, %abs3A : vector<96x1024xf32>
    %exp3A = math.exp %neg3A_12 : vector<96x1024xf32>
    %log1p3A = math.log1p %exp3A : vector<96x1024xf32>
    %sub3A = arith.subf %min3A_10, %log1p3A : vector<96x1024xf32>
    %reduce_sum3A = vector.shape_cast %sub3A : vector<96x1024xf32> to vector<1x96x1024xf32>
    %reduce_sum3A_13 = arith.constant dense<0.000000e+00> : vector<1xf32>
    %reduce_sum3A_14 = vector.multi_reduction <add>, %reduce_sum3A, %reduce_sum3A_13 [1, 2] : vector<1x96x1024xf32> to vector<1xf32>
    %reduce_sum3A_15 = vector.shape_cast %reduce_sum3A_14 : vector<1xf32> to vector<1x1x1xf32>
    %reduce_sum3A_16 = vector.extract %reduce_sum3A_15[0, 0, 0] : f32 from vector<1x1x1xf32>
    %neg3A_17 = arith.constant 0.000000e+00 : f32
    %neg3A_18 = arith.subf %neg3A_17, %reduce_sum3A_16 : f32
    %div3A = arith.constant 1.638400e+04 : f32
    %div3A_19 = arith.divf %neg3A_18, %div3A : f32
    %swap3A = arith.constant 0 : index
    %swap3A_20 = arith.constant 0 : index
    %swap3A_21 = memref.load %arg1[%swap3A, %swap3A_20] : memref<1x1xf32, #tpu.memory_space<smem>>
    memref.store %div3A_19, %arg1[%swap3A, %swap3A_20] : memref<1x1xf32, #tpu.memory_space<smem>>
    return
  }
}

</mosaic_0001>

<sc_bundles>
// kernel: kernel.4.cloned.1.call-start
scs
__scs_entry_jumppad:
0x0: {  	(pc) =	sbr.rel $0x88, $3  }
0x1: {  	(tag) =	ssettag $0x0;
	lr =	simm.s32 $0x1  }
0x2: {  	[smem:$0x3F9D] =	sst lr;
	_ =	strace $0xD0000000  }
0x3: {  	_ = 	snop  }
0x4: {  	_ = 	snop  }
0x5: {  	_ = 	snop  }
0x6: {  	_ = 	snop  }
0x7: {  	_ = 	snop  }
__scs_overlays_trampoline_lowered:
0x8: {  	[smem:$0x3FAC] =	sst s0  }
0x9: {  	[smem:$0x3FAD] =	sst s1  }
0xa: {  	[smem:$0x3FAE] =	sst s2  }
0xb: {  	[smem:$0x3FAF] =	sst s3  }
0xc: {  	[smem:$0x3FB0] =	sst s4  }
0xd: {  	[smem:$0x3FB1] =	sst s5  }
0xe: {  	[smem:$0x3FB2] =	sst s6  }
0xf: {  	[smem:$0x3FB3] =	sst s7  }
0x10: {  	[smem:$0x3FB4] =	sst s8  }
0x11: {  	[smem:$0x3FB5] =	sst s9;
	s0 =	simm.s32 @!p0 $0x0  }
0x12: {  	s1 =	sld [smem:$0x3F9B];
	s0 =	simm.s32 @p0 $0x1  }
0x13: {  	[smem:$0x3FB6] =	sst s0;
	s0 =	simm.s32 @!p1 $0x0  }
0x14: {  	s2 =	sld [smem:$0x3F9A];
	s0 =	simm.s32 @p1 $0x1  }
0x15: {  	[smem:$0x3FB7] =	sst s0;
	s0 =	simm.s32 @!p2 $0x0  }
0x16: {  	s3 =	sld [smem:$0x3FDB];
	s0 =	simm.s32 @p2 $0x1  }
0x17: {  	s4 =	simm.s32 $0x1BF5;
	[smem:$0x3FB9] =	sst s0  }
0x18: {  	s0 =	sld [smem:$0x3F9C];
	_ =	swait.ge [sflag:s4], $0x0  }
0x19: {  	s7 =	sld [smem:$0x3F9D]  }
0x1a: {  	s8 =	sadd.s32 $0xFFFFE003, lr  }
0x1b: {  	s9 =	sadd.s32 $0xFFFFFEF7, lr;
	s5 =	simm.s32 $0xFFFFFFFF;
	p2 =	slt.u32 s8, $0xFFFFF086  }
0x1c: {  	p1 =	slt.u32 s9, $0xF7A;
	s5 =	simm.s32 @!p2 $0x0  }
0x1d: {  	s5 =	simm.s32 @p1 $0x1;
	p0 =	seq.s32 s7, s2  }
0x1e: {  	s7 =	smul.u32 @!p0 $0xF7A, s2;
	p2 =	seq.s32 @!p0 s5, $0x0  }
0x1f: {  	s9 =	smul.u32 $0xF7A, s1;
	s8 =	simm.s32 @!p0 $0x1BF5;
	p2 =	por !p2, p0  }
0x20: {  	[sflag:s8] =	ssyncset.s32 @!p0 $0xFFFFF086;
	s6 =	sadd.s32 @!p0 s3, s7;
	s7 =	simm.s32 @!p0 $0x108  }
0x21: {  	s3 =	sadd.s32 s3, s9;
	s6 =	sadd.s32 @!p0 $0x88, s6;
	s7 =	simm.s32 @p2 $0x1082  }
0x22: {  	[simem:s7], [sflag:s8] =	dma.local @!p0 [hbm:s6], $0xF7A  }
0x23: {  	s9 =	sor.u32 $0xD0000000, s2;
	s6 =	simm.s32 $0x108;
	_ =	swait.ge @!p0 [sflag:s8], $0x0  }
0x24: {  	s3 =	sadd.s32 $0x88, s3;
	s6 =	simm.s32 @!p1 $0x1082;
	[sflag:s4] =	ssyncset.s32 $0xFFFFF086  }
0x25: {  	[simem:s6], [sflag:s4] =	dma.local [hbm:s3], $0xF7A  }
0x26: {  	[smem:$0x3F9D] =	sst s1;
	(tag) =	ssettag s2;
	_ =	strace s9  }
0x27: {  	s1 =	sld [smem:$0x3FAD]  }
0x28: {  	s2 =	sld [smem:$0x3FAE]  }
0x29: {  	s4 =	sld [smem:$0x3FB0]  }
0x2a: {  	p0 =	seq.s32 s5, $0x0;
	s5 =	sld [smem:$0x3FB1]  }
0x2b: {  	s6 =	sld [smem:$0x3FB2]  }
0x2c: {  	s7 =	sld [smem:$0x3FB3]  }
0x2d: {  	s3 =	simm.s32 $0x108;
	s8 =	sld [smem:$0x3FB4]  }
0x2e: {  	s3 =	simm.s32 @!p0 $0x1082;
	s9 =	sld [smem:$0x3FB5]  }
0x2f: {  	lr =	sadd.s32 s0, s3;
	s0 =	sld [smem:$0x3FAC]  }
0x30: {  	s3 =	sld [smem:$0x3FAF]  }
0x31: {  	[smem:$0x3FB8] =	sst s10  }
0x32: {  	s10 =	sld [smem:$0x3FB6];
	_ =	sdelay $0x3  }
0x33: {  	p0 =	seq.s32 s10, $0x1;
	s10 =	sld [smem:$0x3FB8];
	_ =	sdelay $0x3  }
0x34: {  	[smem:$0x3FB8] =	sst s10  }
0x35: {  	s10 =	sld [smem:$0x3FB7];
	_ =	sdelay $0x3  }
0x36: {  	p1 =	seq.s32 s10, $0x1;
	s10 =	sld [smem:$0x3FB8];
	_ =	sdelay $0x3  }
0x37: {  	[smem:$0x3FB8] =	sst s10  }
0x38: {  	s10 =	sld [smem:$0x3FB9]  }
0x39: {  	_ = 	snop;
	(pc) =	sbr.ind lr, $3  }
0x3a: {  	_ = 	snop  }
0x3b: {  	_ = 	snop  }
0x3c: {  	p2 =	seq.s32 s10, $0x1;
	s10 =	sld [smem:$0x3FB8]  }
0x3d: {  	_ =	shalt  }
0x3e: {  	_ =	shalt  }
0x3f: {  	_ =	shalt  }
0x40: {  	_ =	shalt  }
0x41: {  	_ =	shalt  }
0x42: {  	_ =	shalt  }
0x43: {  	_ =	shalt  }
0x44: {  	_ =	shalt  }
0x45: {  	_ =	shalt  }
0x46: {  	_ =	shalt  }
0x47: {  	_ =	shalt  }
0x48: {  	_ =	shalt  }
0x49: {  	_ =	shalt  }
0x4a: {  	_ =	shalt  }
0x4b: {  	_ =	shalt  }
0x4c: {  	_ =	shalt  }
0x4d: {  	_ =	shalt  }
0x4e: {  	_ =	shalt  }
0x4f: {  	_ =	shalt  }
0x50: {  	_ =	shalt  }
0x51: {  	_ =	shalt  }
0x52: {  	_ =	shalt  }
0x53: {  	_ =	shalt  }
0x54: {  	_ =	shalt  }
0x55: {  	_ =	shalt  }
0x56: {  	_ =	shalt  }
0x57: {  	_ =	shalt  }
0x58: {  	_ =	shalt  }
0x59: {  	_ =	shalt  }
0x5a: {  	_ =	shalt  }
0x5b: {  	_ =	shalt  }
0x5c: {  	_ =	shalt  }
0x5d: {  	_ =	shalt  }
0x5e: {  	_ =	shalt  }
0x5f: {  	_ =	shalt  }
0x60: {  	_ =	shalt  }
0x61: {  	_ =	shalt  }
0x62: {  	_ =	shalt  }
0x63: {  	_ =	shalt  }
0x64: {  	_ =	shalt  }
0x65: {  	_ =	shalt  }
0x66: {  	_ =	shalt  }
0x67: {  	_ =	shalt  }
0x68: {  	_ =	shalt  }
0x69: {  	_ =	shalt  }
0x6a: {  	_ =	shalt  }
0x6b: {  	_ =	shalt  }
0x6c: {  	_ =	shalt  }
0x6d: {  	_ =	shalt  }
0x6e: {  	_ =	shalt  }
0x6f: {  	_ =	shalt  }
0x70: {  	_ =	shalt  }
0x71: {  	_ =	shalt  }
0x72: {  	_ =	shalt  }
0x73: {  	_ =	shalt  }
0x74: {  	_ =	shalt  }
0x75: {  	_ =	shalt  }
0x76: {  	_ =	shalt  }
0x77: {  	_ =	shalt  }
0x78: {  	_ =	shalt  }
0x79: {  	_ =	shalt  }
0x7a: {  	_ =	shalt  }
0x7b: {  	_ =	shalt  }
0x7c: {  	_ =	shalt  }
0x7d: {  	_ =	shalt  }
0x7e: {  	_ =	shalt  }
0x7f: {  	_ =	shalt  }
0x80: {  	_ =	shalt  }
0x81: {  	_ =	shalt  }
0x82: {  	_ =	shalt  }
0x83: {  	_ =	shalt  }
0x84: {  	_ =	shalt  }
0x85: {  	_ =	shalt  }
0x86: {  	_ =	shalt  }
0x87: {  	_ =	shalt  }
.Lfunc_end0:
.L_simem_size_0:
called_computation_lowered:
.L_overlay_start_0:
0x88: {  	s2 =	sld [smem:$0x3FD9]  }
0x89: {  	s3 =	sld [smem:$0x3FFE];
	_ =	sdelay $0x1  }
0x8a: {  	s1 =	srdreg.scid  }
0x8b: {  	s0 =	sand.u32 $0x1, s1  }
0x8c: {  	s17 =	sshll.u32 s0, $0xA;
	s2 =	sadd.s32 s3, s2  }
0x8d: {  	s2 =	sadd.s32 s2, s17  }
0x8e: {  	[smem:$0x3FC4] =	sst s2  }
0x8f: {  	_ = 	snop  }
0x90: {  	s2 =	sld [smem:$0x3FC6];
	(tm) =	ssettm $0x1  }
0x91: {  	s18 =	sld [smem:$0x3FFB];
	_ =	sdelay $0x3  }
0x92: {  	_ =	strace s18  }
0x93: {  	s3 =	sld [smem:$0x3FFC];
	_ =	sdelay $0x3  }
0x94: {  	_ =	strace s3  }
0x95: {  	s3 =	sld [smem:$0x3FFD];
	_ =	sdelay $0x3  }
0x96: {  	_ =	strace s3  }
0x97: {  	_ =	strace $0x8FFFFFFF  }
0x98: {  	s19 =	sld [smem:$0x3FDB];
	_ =	sdelay $0x1  }
0x99: {  	s4 =	simm.s32 $_scs_section_size  }
0x9a: {  	s5 =	simm.s32 $_size__tile_overlayer_lowered;
	s6 =	simm.s32 $_tile_overlayer_lowered  }
0x9b: {  	s22 =	simm.s32 $0x1BFF;
	s21 =	sshll.u32 s6, $0x1;
	s3 =	sadd.s32 s4, s19  }
0x9c: {  	s7 =	simm.s32 $0x0;
	s20 =	sshll.u32 s5, $0x1;
	s5 =	sadd.s32 s21, s3  }
0x9d: {  	[timem:s7], [sflag:s22] =	dma.local [hbm:s5], s20  }
0x9e: {  	_ =	swait.ge [sflag:s22], s20  }
0x9f: {  	s4 =	ssub.s32 $0x0, s20;
	[sflag:s22] =	ssyncset.done $0x0  }
0xa0: {  	[sflag:s22] =	ssyncadd.s32 s4;
	_ =	sdelay $0x1  }
0xa1: {  	s23 =	simm.s32 $0x1B8B  }
0xa2: {  	_ =	swait.ge [sflag:s23], $0x1  }
0xa3: {  	[sflag:s23] =	ssyncset.done $0x0  }
0xa4: {  	s25 =	simm.s32 $0x1B8E;
	s24 =	sld [smem:$0x3FFE];
	[sflag:s23] =	ssyncadd.s32 $0xFFFFFFFF  }
0xa5: {  	s26 =	simm.s32 $execute0_lowered;
	[smem:$0x3FD2] =	sst s25  }
0xa6: {  	s5 =	sshll.u32 s26, $0x1;
	_ =	strace $0x80000046;
	[dreg:$0x1] =	wrdreg $0xFFFFFFFF  }
0xa7: {  	s28 =	simm.s32 $_size_execute0_lowered;
	s3 =	sadd.s32 s3, s5;
	[dreg:$0x0] =	wrdreg $0x0  }
0xa8: {  	s5 =	sshll.u32 s28, $0x1;
	[dreg:$0x2] =	wrdreg s3  }
0xa9: {  	[dreg:$0x3] =	wrdreg s5  }
0xaa: {  	[dreg:$0x4] =	wrdreg $0xC0  }
0xab: {  	_ =	task [dreg:s7], $0x5FFFF  }
0xac: {  	[dreg:$0x1] =	wrdreg $0xFFFFFFFF  }
0xad: {  	[dreg:$0x0] =	wrdreg $0x60  }
0xae: {  	[dreg:$0x2] =	wrdreg s2  }
0xaf: {  	[dreg:$0x3] =	wrdreg s24  }
0xb0: {  	[dreg:$0x4] =	wrdreg $0x0  }
0xb1: {  	[dreg:$0x5] =	wrdreg $0x9  }
0xb2: {  	_ =	task.clear_ibuf [dreg:s7], $0x6FFFF;
	_ =	strace $0x90000046  }
0xb3: {  	s29 =	simm.s32 $0x9;
	_ =	strace $0x80000048  }
0xb4: {  	_ =	swait.ge [sflag:s29], $0x1  }
0xb5: {  	[sflag:s29] =	ssyncadd.s32 $0xFFFFFFFF  }
0xb6: {  	_ =	strace $0x90000048  }
0xb7: {  	_ =	sfence  }
0xb8: {  	s30 =	sld [smem:$0x0];
	_ =	sdelay $0x2  }
0xb9: {  	s31 =	sshll.u32 s1, $0xD;
	s1 =	sshrl.u32 s1, $0x2  }
0xba: {  	s3 =	sand.u32 $0x4000, s31;
	s1 =	sadd.s32 s1, s30  }
0xbb: {  	s0 =	sor.u32 s3, s0;
	s1 =	sshll.u32 s1, $0x11  }
0xbc: {  	s0 =	sor.u32 s1, s0  }
0xbd: {  	s0 =	sadd.s32 $0x8F2B, s0  }
0xbe: {  	[sflag:s0] =	ssyncadd.remote.s32 $0x1  }
0xbf: {  	_ =	sfence.sel $0xFFFF  }
0xc0: {  	[dreg:$0x0] =	wrdreg $0xFFFFFFFF;
	(pc) =	sbr.abs _section_cstart, $3  }
0xc1: {  	[dreg:$0x1] =	wrdreg $0xFFFFFFFF  }
0xc2: {  	_ =	task.clear_ibuf [dreg:s7], $0x2FFFF;
	_ =	strace $0x9FFFFFFF  }
0xc3: {  	(tm) =	ssettm $0x7FFFFFFF  }
tec
execute0_lowered:
.L_overlay_start_1:
0x0: {  	(tag) =	ssettag $0x1  }
0x1: {  	s1 =	rddreg [dreg:$0x0]  }
0x2: {  	s0 =	rddreg [dreg:$0x1]  }
0x3: {  	s2 =	rddreg [dreg:$0x2]  }
0x4: {  	s3 =	simm.s32 $0x0;
	s14 =	stileid.u32;
	s4 =	srdreg.scid  }
0x5: {  	s15 =	simm.s32 $0x3;
	s17 =	simm.s32 $0x1C00;
	s18 =	simm.s32 $0x11028  }
0x6: {  	s19 =	simm.s32 $0x2;
	s20 =	simm.s32 $0x80;
	s21 =	simm.s32 $0x400  }
0x7: {  	s22 =	simm.s32 $0x12C28;
	s29 =	simm.s32 $0x0;
	s31 =	simm.s32 $0x0  }
0x8: {  	[smem:$0x7FF] =	sst s3;
	s5 =	smul.u32 $0x380, s14;
	s4 =	sand.u32 $0x1, s4  }
0x9: {  	s7 =	sshll.u32 s14, $0xA;
	p0 =	sne.s32 s14, $0x0;
	s14 =	simm.s32 $0xF428  }
0xa: {  	_ =	strace $0x80000047;
	s6 =	sshll.u32 s4, $0xE;
	s8 =	ssub.s32 $0x2, s4  }
0xb: {  	s9 =	smul.u32 $0x3D0A00, s4;
	s30 =	sshll.u32 s4, $0x5;
	s16 =	sshrl.u32 @!p0 s2, $0x3  }
0xc: {  	s6 =	sor.u32 s7, s6;
	s28 =	sshrl.u32 s8, $0x1;
	s5 =	sadd.s32 s5, s0  }
0xd: {  	s0 =	sadd.s32 s6, s0;
	s13 =	ssub.s32 s8, s28;
	s4 =	sadd.s32 $0x400, s5  }
0xe: {  	s5 =	sadd.s32 s1, s9;
	s6 =	sor.u32 $0x1, s30;
	s7 =	sadd.s32 $0x3C00, s0  }
0xf: {  	s8 =	sadd.s32 $0x3C10, s0;
	s9 =	sadd.s32 $0x3C20, s0;
	s10 =	sadd.s32 $0x3C30, s0  }
0x10: {  	v0 =	vimm.f32 $0.0e+00;
	s11 =	sadd.s32 $0x3C40, s0;
	s12 =	sadd.s32 $0x3C50, s0;
	s13 =	smax.u32 s13, $0x1  }
.LBB2_1:
0x11: {  	s0 =	simm.s32 $0x0  }
0x12: {  	[tilespmem:s14], [sflag:$0x3] =	stream.linear.gather [hbm4b:s4+s0], $0x1C00, $0x38;
	[tilespmem:$0x14428] =	vst v63  }
0x13: {  	_ =	swait.ge [sflag:s15], $0x1C00  }
0x14: {  	[sflag:s15] =	ssyncset.done $0x0  }
0x15: {  	[sflag:s15] =	ssyncadd.s32 $0xFFFFE400  }
0x16: {  	s23 =	simm.s32 $0x10;
	s24 =	simm.s32 $0x12C28;
	s0 =	sand.u32 $0x3F0, s0;
	[tilespmem:s22+$0x0] =	vst v0  }
.LBB2_2:
0x17: {  	p1 =	sne.s32 s23, $0x3F0  }
0x18: {  	[tilespmem:s0+$0x14028] =	vst v0;
	s24 =	sadd.s32 $0x10, s24;
	s25 =	smov.u32 s23;
	s23 =	sadd.s32 $0x10, s23  }
.Ltmp0:
0x19: {  	[tilespmem:s0+$0x13C28] =	vst v0;
	(pc) =	sbr.rel @p1 .LBB2_2-.Ltmp0, $4  }
0x1a: {  	[tilespmem:s0+$0x13828] =	vst v0  }
0x1b: {  	[tilespmem:s0+$0x13028] =	vst v0  }
0x1c: {  	[tilespmem:s0+$0x13428] =	vst v0  }
0x1d: {  	s0 =	sand.u32 $0x3F0, s25;
	[tilespmem:s24+$0x0] =	vst v0  }
0x1e: {  	[tilespmem:s0+$0x14028] =	vst v0  }
0x1f: {  	[tilespmem:s0+$0x13C28] =	vst v0  }
0x20: {  	[tilespmem:s0+$0x13828] =	vst v0  }
0x21: {  	[tilespmem:s0+$0x13028] =	vst v0;
	s30 =	simm.s32 @!p0 $0x1  }
0x22: {  	[tilespmem:s0+$0x13428] =	vst v0;
	s0 =	simm.s32 @!p0 $0x10;
	s23 =	simm.s32 @!p0 $0x80;
	s24 =	simm.s32 @!p0 $0x1C01  }
0x23: {  	[spmem:s16@s0], [sflag:s24] =	dma.strided @!p0 [hbm:s5@s23], $0x1E850, s30, $0x10   }
0x24: {  	s0 =	simm.s32 $0x0  }
.LBB2_5:
0x25: {  	_ =	swait.ge @!p0 [sflag:s30], $0x1E850;
	p1 =	seq.s32 @!p0 s0, $0x1F  }
0x26: {  	[sflag:s30] =	ssyncset.done @!p0 $0x0;
	p1 =	por p1, p0  }
0x27: {  	[sflag:s30] =	ssyncadd.s32 @!p0 $0xFFFE17B0;
	s23 =	sadd.s32 @!p1 s0, s6  }
0x28: {  	[bflag:$0x0] =	sbarrier.arrive $0xFFFF;
	s24 =	sshrl.u32 @!p1 s23, $0x3  }
0x29: {  	[tilespmem:s18], [sflag:$0x2] =	stream.indirect.gather [spmem:s2], $0x1, s14, s17, $0xb8;
	[tilespmem:$0x14428] =	vst v63  }
0x2a: {  	s25 =	simm.s32 @!p1 $0x1;
	s23 =	sshll.u32 @!p1 s23, $0x7;
	s24 =	smul.u32 @!p1 $0x7A1400, s24  }
0x2b: {  	s26 =	simm.s32 @!p1 $0x10;
	s23 =	sand.u32 @!p1 $0x380, s23;
	_ =	swait.ge [sflag:s19], $0x1C00  }
0x2c: {  	s28 =	simm.s32 @!p1 $0x80;
	[sflag:s19] =	ssyncset.done $0x0;
	s23 =	sor.u32 @!p1 s23, s24  }
0x2d: {  	s3 =	simm.s32 @!p1 $0x1C01;
	[sflag:s19] =	ssyncadd.s32 $0xFFFFE400;
	s23 =	sshrl.u32 @!p1 s23, $0x3  }
0x2e: {  	s24 =	sshrl.u32 @!p1 s2, $0x3;
	[bflag:$0x0] =	sbarrier.arrive $0xFFFF;
	s23 =	sadd.s32 @!p1 s1, s23  }
0x2f: {  	[spmem:s24@s26], [sflag:s3] =	dma.strided @!p1 [hbm:s23@s28], $0x1E850, s25, $0x10   }
0x30: {  	s23 =	sand.u32 $0x3F0, s31  }
0x31: {  	s24 =	simm.s32 $0x11028;
	v2 =	vld [tilespmem:s23+$0x11428]  }
0x32: {  	v1 =	vld [tilespmem:s24+$0x0]  }
0x33: {  	s25 =	simm.s32 $0x12C28  }
0x34: {  	v3 =	vld [tilespmem:s25+$0x0];
	_ =	sdelay $0x2  }
0x35: {  	v2 =	vmul.f32 v2, v1;
	_ =	sdelay $0x1  }
0x36: {  	v2 =	vadd.f32 v2, v3;
	_ =	sdelay $0x1  }
0x37: {  	[tilespmem:s25+$0x0] =	vst v2  }
0x38: {  	v2 =	vld [tilespmem:s23+$0x14028]  }
0x39: {  	v4 =	vld [tilespmem:s23+$0x13828]  }
0x3a: {  	v3 =	vld [tilespmem:s23+$0x13C28]  }
0x3b: {  	s0 =	sadd.s32 $0x1, s0;
	s26 =	simm.s32 $0x10;
	v5 =	vld [tilespmem:s23+$0x12028]  }
.LBB2_6:
0x3c: {  	p1 =	seq.s32 s26, $0x3F0;
	v6 =	vld [tilespmem:s23+$0x12428];
	s24 =	sadd.s32 $0x10, s24;
	s25 =	sadd.s32 $0x10, s25  }
0x3d: {  	s3 =	smov.u32 s26;
	s26 =	sadd.s32 $0x10, s26;
	v7 =	vld [tilespmem:s23+$0x12828]  }
0x3e: {  	v8 =	vld [tilespmem:s23+$0x11C28]  }
0x3f: {  	v9 =	vld [tilespmem:s23+$0x11828]  }
0x40: {  	v10 =	vld [tilespmem:s23+$0x13428];
	v5 =	vmul.f32 v5, v1  }
0x41: {  	v11 =	vld [tilespmem:s23+$0x13028];
	v6 =	vmul.f32 v6, v1  }
0x42: {  	v4 =	vadd.f32 v5, v4;
	v5 =	vmul.f32 v7, v1  }
0x43: {  	s3 =	sand.u32 $0x3F0, s3;
	v7 =	vmul.f32 v8, v1;
	v3 =	vadd.f32 v6, v3  }
0x44: {  	v6 =	vld [tilespmem:s3+$0x11428];
	v1 =	vmul.f32 v9, v1;
	[tilespmem:s23+$0x13828] =	vst v4;
	v2 =	vadd.f32 v5, v2  }
0x45: {  	v4 =	vadd.f32 v7, v10;
	[tilespmem:s23+$0x13C28] =	vst v3  }
0x46: {  	v1 =	vadd.f32 v1, v11;
	[tilespmem:s23+$0x14028] =	vst v2  }
0x47: {  	[tilespmem:s23+$0x13428] =	vst v4  }
0x48: {  	[tilespmem:s23+$0x13028] =	vst v1;
	s23 =	smov.u32 s3  }
0x49: {  	v1 =	vld [tilespmem:s24+$0x0]  }
0x4a: {  	v2 =	vld [tilespmem:s25+$0x0];
	_ =	sdelay $0x3  }
0x4b: {  	v3 =	vmul.f32 v6, v1;
	_ =	sdelay $0x1  }
0x4c: {  	v2 =	vadd.f32 v3, v2;
	_ =	sdelay $0x1  }
.Ltmp1:
0x4d: {  	[tilespmem:s25+$0x0] =	vst v2;
	(pc) =	sbr.rel @!p1 .LBB2_6-.Ltmp1, $4  }
0x4e: {  	v2 =	vld [tilespmem:s23+$0x14028]  }
0x4f: {  	v4 =	vld [tilespmem:s23+$0x13828]  }
0x50: {  	v3 =	vld [tilespmem:s23+$0x13C28]  }
0x51: {  	v5 =	vld [tilespmem:s23+$0x12028]  }
0x52: {  	v6 =	vld [tilespmem:s23+$0x12428]  }
0x53: {  	v7 =	vld [tilespmem:s23+$0x12828]  }
0x54: {  	v8 =	vld [tilespmem:s23+$0x11C28]  }
0x55: {  	v9 =	vld [tilespmem:s23+$0x11828]  }
0x56: {  	v10 =	vld [tilespmem:s23+$0x13428];
	v5 =	vmul.f32 v5, v1  }
0x57: {  	v11 =	vld [tilespmem:s23+$0x13028];
	v6 =	vmul.f32 v6, v1  }
0x58: {  	v61 =	vmul.f32 v7, v1;
	v4 =	vadd.f32 v5, v4  }
0x59: {  	v62 =	vmul.f32 v8, v1;
	v3 =	vadd.f32 v6, v3  }
0x5a: {  	v1 =	vmul.f32 v9, v1;
	v2 =	vadd.f32 v61, v2;
	[tilespmem:s23+$0x13828] =	vst v4  }
0x5b: {  	v63 =	vadd.f32 v62, v10;
	[tilespmem:s23+$0x13C28] =	vst v3  }
0x5c: {  	v1 =	vadd.f32 v1, v11;
	[tilespmem:s23+$0x14028] =	vst v2  }
0x5d: {  	[tilespmem:s23+$0x13428] =	vst v63  }
0x5e: {  	[tilespmem:s23+$0x13028] =	vst v1  }
0x5f: {  	p1 =	seq.s32 s0, $0x20  }
.Ltmp2:
0x60: {  	_ = 	snop;
	(pc) =	sbr.rel @!p1 .LBB2_5-.Ltmp2, $1  }
0x61: {  	_ =	sdelay $0x3  }
0x62: {  	[hbm4b:s7+s20] =	stream.strided.scatter [tilespmem:s22], [sflag:$0x3], $0x400, s21, s20, $0x38;
	[tilespmem:$0x14428] =	vst v63  }
0x63: {  	_ =	swait.ge [sflag:s15], $0x400  }
0x64: {  	[sflag:s15] =	ssyncset.done $0x0  }
0x65: {  	s0 =	simm.s32 $0x13028;
	[sflag:s15] =	ssyncadd.s32 $0xFFFFFC00  }
0x66: {  	[hbm4b:s8+s20] =	stream.strided.scatter [tilespmem:s0], [sflag:$0x3], $0x400, s21, s20, $0x38;
	[tilespmem:$0x14428] =	vst v63  }
0x67: {  	_ =	swait.ge [sflag:s15], $0x400  }
0x68: {  	[sflag:s15] =	ssyncset.done $0x0  }
0x69: {  	s25 =	simm.s32 $0x13428;
	[sflag:s15] =	ssyncadd.s32 $0xFFFFFC00  }
0x6a: {  	[hbm4b:s9+s20] =	stream.strided.scatter [tilespmem:s25], [sflag:$0x3], $0x400, s21, s20, $0x38;
	[tilespmem:$0x14428] =	vst v63  }
0x6b: {  	_ =	swait.ge [sflag:s15], $0x400  }
0x6c: {  	[sflag:s15] =	ssyncset.done $0x0  }
0x6d: {  	s26 =	simm.s32 $0x13828;
	[sflag:s15] =	ssyncadd.s32 $0xFFFFFC00  }
0x6e: {  	[hbm4b:s10+s20] =	stream.strided.scatter [tilespmem:s26], [sflag:$0x3], $0x400, s21, s20, $0x38;
	[tilespmem:$0x14428] =	vst v63  }
0x6f: {  	_ =	swait.ge [sflag:s15], $0x400  }
0x70: {  	[sflag:s15] =	ssyncset.done $0x0  }
0x71: {  	s28 =	simm.s32 $0x13C28;
	[sflag:s15] =	ssyncadd.s32 $0xFFFFFC00  }
0x72: {  	[hbm4b:s11+s20] =	stream.strided.scatter [tilespmem:s28], [sflag:$0x3], $0x400, s21, s20, $0x38;
	[tilespmem:$0x14428] =	vst v63  }
0x73: {  	s29 =	sadd.s32 $0x1, s29;
	_ =	swait.ge [sflag:s15], $0x400  }
0x74: {  	p1 =	sne.s32 s29, s13;
	[sflag:s15] =	ssyncset.done $0x0  }
.Ltmp3:
0x75: {  	s30 =	simm.s32 $0x14028;
	[sflag:s15] =	ssyncadd.s32 $0xFFFFFC00;
	(pc) =	sbr.rel @p1 .LBB2_1-.Ltmp3, $4  }
0x76: {  	[hbm4b:s12+s20] =	stream.strided.scatter [tilespmem:s30], [sflag:$0x3], $0x400, s21, s20, $0x38;
	[tilespmem:$0x14428] =	vst v63  }
0x77: {  	_ =	swait.ge [sflag:s15], $0x400  }
0x78: {  	[sflag:s15] =	ssyncset.done $0x0  }
0x79: {  	[sflag:s15] =	ssyncadd.s32 $0xFFFFFC00  }
0x7a: {  	_ =	sfence.sel $0x180000  }
0x7b: {  	[bflag:$0x0] =	sbarrier.arrive $0xFFFF  }
0x7c: {  	_ =	strace $0x90000047  }
0x7d: {  	[bflag:$0x2] =	sbarrier.arrive $0xFFFF  }
0x7e: {  	s0 =	rddreg [dreg:$0x3]  }
0x7f: {  	s0 =	sadd.s32 @!p0 $0x100000, s0  }
0x80: {  	[sflag:s0] =	ssyncadd.tile.s32 @!p0 $0x1;
	_ =	shalt  }
.Lfunc_end2:
_tile_overlayer_lowered:
.L_overlay_start_2:
0x81: {  	(tag) =	ssettag $0x2  }
0x82: {  	s0 =	rddreg [dreg:$0x0];
	s2 =	stileid.u32  }
0x83: {  	s1 =	rddreg [dreg:$0x1];
	p0 =	sne.s32 s2, $0x0  }
0x84: {  	s3 =	rddreg [dreg:$0x2];
	[bflag:$0x3] =	sbarrier.arrive $0xFFFF;
	s2 =	simm.s32 @!p0 $0x1C03  }
0x85: {  	[timem:s3], [sflag:s2] =	dma.local @!p0 [hbm:s0], s1  }
0x86: {  	s0 =	simm.s32 @!p0 $0x3  }
0x87: {  	_ =	swait.ge @!p0 [sflag:s0], s1  }
0x88: {  	s1 =	ssub.s32 @!p0 $0x0, s1;
	[sflag:s0] =	ssyncset.done @!p0 $0x0  }
0x89: {  	[sflag:s0] =	ssyncadd.s32 @!p0 s1  }
0x8a: {  	[bflag:$0x3] =	sbarrier.arrive $0xFFFF  }
0x8b: {  	_ =	shalt  }

</sc_bundles>
